<compile_context>
chip_gen: v7x
topology: tpu7x:2x2x1
jax: 0.10.2.dev20260603
libtpu: 0.0.44.dev20260713+nightly
codegen_flags: <defaults>
</compile_context>

<pallas_src>
import functools

import jax
import jax.numpy as jnp
from jax import lax
from jax.experimental import pallas as pl
from jax.experimental.pallas import tpu as pltpu
from jax.experimental.pallas import tpu_sc as plsc

DIM = 32
L = 16
PACK = 128 // DIM

_info = plsc.get_sparse_core_info()
NC, NS = _info.num_cores, _info.num_subcores
NW = NC * NS

CH = 128
DEPTH = 6
LEAD = 4


def _gather_kernel(B, H, S, n_chunks):
    mesh = plsc.VectorSubcoreMesh(core_axis_name="c", subcore_axis_name="s")

    @functools.partial(
        pl.kernel,
        mesh=mesh,
        out_type=jax.ShapeDtypeStruct((B, H, DIM, S), jnp.float32),
        scratch_types=[
            pltpu.VMEM((n_chunks, CH), jnp.int32),
            pltpu.VMEM((n_chunks, CH), jnp.int32),
            pltpu.VMEM((DEPTH, CH, 128), jnp.float32),
            pltpu.VMEM((2, DIM, CH), jnp.float32),
            pltpu.VMEM((L,), jnp.int32),
            pltpu.SemaphoreType.DMA,
            pltpu.SemaphoreType.DMA,
        ],
        compiler_params=pltpu.CompilerParams(
            use_tc_tiling_on_sc=True, needs_layout_passes=False),
    )
    def body(ids_hbm, off_hbm, table_hbm, out_hbm, row_v, lane_v, lines_v,
             stage_v, off_v, g_sem, w_sem):
        wid = lax.axis_index("s") * NC + lax.axis_index("c")
        b = wid // H
        h = wid % H
        pltpu.sync_copy(off_hbm.at[h], off_v)
        pltpu.sync_copy(ids_hbm.at[b, h], row_v)
        off = off_v[...]

        def shift(j, carry):
            for i in range(CH // L):
                s = pl.ds(i * L, L)
                v = row_v[j, s] + off
                row_v[j, s] = v // PACK
                lane_v[j, s] = (v % PACK) * DIM
            return carry

        lax.fori_loop(0, n_chunks, shift, 0)

        lanes = lax.iota(jnp.int32, L)

        def fire(j):
            pltpu.async_copy(
                table_hbm.at[row_v.at[j]], lines_v.at[j % DEPTH], g_sem)

        for j in range(LEAD):
            fire(j)

        def step(j, carry):
            @pl.when(j + LEAD < n_chunks)
            def _():
                fire(j + LEAD)

            lines = lines_v.at[j % DEPTH]
            pltpu.make_async_copy(table_hbm.at[row_v.at[0]], lines,
                                  g_sem).wait()
            stage = stage_v.at[j % 2]

            @pl.when(j >= 2)
            def _():
                pltpu.make_async_copy(
                    stage, out_hbm.at[b, h, :, pl.ds(0, CH)], w_sem).wait()

            def extract(i, c):
                pos = lanes + i * L
                wl = lane_v[j, pl.ds(i * L, L)]
                for d in range(DIM):
                    stage[d, pl.ds(i * L, L)] = plsc.load_gather(
                        lines, [pos, wl + d])
                return c

            lax.fori_loop(0, CH // L, extract, 0)
            pltpu.async_copy(
                stage, out_hbm.at[b, h, :, pl.ds(j * CH, CH)], w_sem)
            return carry

        lax.fori_loop(0, n_chunks, step, 0)
        for _ in range(2):
            pltpu.make_async_copy(
                stage_v.at[0], out_hbm.at[b, h, :, pl.ds(0, CH)], w_sem).wait()

    return body


def kernel(input_ids, offsets, W):
    B, S, H = input_ids.shape
    n_chunks = S // CH
    n_rows = W.shape[0]
    ids_t = jnp.transpose(input_ids, (0, 2, 1)).reshape(B, H, n_chunks, CH)
    offs_b = jnp.broadcast_to(offsets[:, None], (H, L))
    table_p = W.reshape(n_rows // PACK, PACK * DIM)
    out_phys = _gather_kernel(B, H, S, n_chunks)(ids_t, offs_b, table_p)
    return jnp.transpose(out_phys, (0, 3, 1, 2))

# --- scband reference (transcript-rebuilt; emitter-appended) ---
"""Pipeline reference for scband-engram-memory-module-17626545782850 (READ-ONLY COPY).

The authoritative reference and input builder live on the scoring server;
editing this copy changes nothing except your own understanding.
"""

import jax, jax.numpy as jnp
import numpy as np

SIZES = [100003, 100019, 100043, 100057, 100069, 100103, 100109, 100129]
DIM = 32
BATCH, SEQ, HEADS = 4, 4096, 8


def setup_inputs(seed: int = 0) -> dict:
    key = jax.random.key(seed)
    k1, k2 = jax.random.split(key)
    # per-head hashed ids; each id must be < its head's table size, so bound by min(SIZES)
    input_ids = jax.random.randint(k1, (BATCH, SEQ, HEADS), 0, min(SIZES), dtype=jnp.int32)
    # per-head offsets into the shared (concatenated) embedding table
    offs = np.zeros(HEADS, dtype=np.int32)
    offs[1:] = np.cumsum(np.asarray(SIZES[:-1], dtype=np.int64)).astype(np.int32)
    offsets = jnp.asarray(offs)
    total_rows = int(sum(SIZES))
    W = jax.random.normal(k2, (total_rows, DIM), dtype=jnp.float32) * 0.02
    return {"input_ids": input_ids, "offsets": offsets, "W": W}


def reference(input_ids, offsets, W):
    # MultiHeadEmbedding.forward: shift ids by per-head offsets, then lookup in shared table
    shifted = input_ids + offsets  # [B, S, H], offsets broadcast over last dim
    return jnp.take(W, shifted, axis=0)  # [B, S, H, DIM]

if __name__ == "__main__":
    import jax
    _d = setup_inputs()
    print(jax.jit(kernel)(*tuple(_d.values())))

</pallas_src>

<mosaic_0001>
#map = affine_map<(d0, d1) -> (0, 0, 0, 0)>
#map1 = affine_map<(d0, d1) -> (0, 0)>
module attributes {stable_mosaic.version = 14 : i64} {
  func.func @body(%arg0: i32, %arg1: i32, %arg2: memref<4x8x32x128xi32, #tpu.memory_space<hbm>>, %arg3: memref<8x16xi32, #tpu.memory_space<hbm>>, %arg4: memref<200133x128xf32, #tpu.memory_space<hbm>>, %arg5: memref<4x8x32x4096xf32, #tpu.memory_space<hbm>>, %arg6: memref<32x128xi32, #tpu.memory_space<vmem>>, %arg7: memref<32x128xi32, #tpu.memory_space<vmem>>, %arg8: memref<6x128x128xf32, #tpu.memory_space<vmem>>, %arg9: memref<2x32x128xf32, #tpu.memory_space<vmem>>, %arg10: memref<16xi32, #tpu.memory_space<vmem>>, %arg11: memref<!tpu.dma_semaphore, #tpu.memory_space<semaphore_mem>>, %arg12: memref<!tpu.dma_semaphore, #tpu.memory_space<semaphore_mem>>) attributes {dimension_semantics = [#tpu.dimension_semantics<core_parallel>, #tpu.dimension_semantics<subcore_parallel>], iteration_bounds = array<i64: 2, 16>, scalar_prefetch = 0 : i64, scratch_operands = 7 : i64, tpu.core_type = #tpu.core_type<sc_vector_subcore>, window_params = [{transform_indices = #map}, {transform_indices = #map1}, {transform_indices = #map1}, {transform_indices = #map}]} {
    %mul3A = arith.constant 2 : i32
    %mul3A_0 = arith.muli %arg1, %mul3A : i32
    %add3A = arith.addi %mul3A_0, %arg0 : i32
    %jit3A = arith.constant 8 : i32
    %div3A = arith.divsi %add3A, %jit3A : i32
    %sign3A = arith.constant 0 : i32
    %sign3A_1 = arith.cmpi sgt, %add3A, %sign3A : i32
    %sign3A_2 = arith.extui %sign3A_1 : i1 to i32
    %sign3A_3 = arith.constant 0 : i32
    %sign3A_4 = arith.cmpi slt, %add3A, %sign3A_3 : i32
    %sign3A_5 = arith.extui %sign3A_4 : i1 to i32
    %sign3A_6 = arith.subi %sign3A_2, %sign3A_5 : i32
    %sign3A_7 = arith.constant 0 : i32
    %sign3A_8 = arith.cmpi sgt, %jit3A, %sign3A_7 : i32
    %sign3A_9 = arith.extui %sign3A_8 : i1 to i32
    %sign3A_10 = arith.constant 0 : i32
    %sign3A_11 = arith.cmpi slt, %jit3A, %sign3A_10 : i32
    %sign3A_12 = arith.extui %sign3A_11 : i1 to i32
    %sign3A_13 = arith.subi %sign3A_9, %sign3A_12 : i32
    %ne3A = arith.cmpi ne, %sign3A_6, %sign3A_13 : i32
    %rem3A = arith.remsi %add3A, %jit3A : i32
    %ne3A_14 = arith.constant 0 : i32
    %ne3A_15 = arith.cmpi ne, %rem3A, %ne3A_14 : i32
    %and3A = arith.andi %ne3A, %ne3A_15 : i1
    %sub3A = arith.constant 1 : i32
    %sub3A_16 = arith.subi %div3A, %sub3A : i32
    %select_n3A = arith.select %and3A, %sub3A_16, %div3A : i32
    %jit3A_17 = arith.constant 8 : i32
    %eq3A = arith.constant 0 : i32
    %eq3A_18 = arith.cmpi eq, %jit3A_17, %eq3A : i32
    %jit3A_19 = arith.constant 1 : i32
    %select_n3A_20 = arith.select %eq3A_18, %jit3A_19, %jit3A_17 : i32
    %rem3A_21 = arith.remsi %add3A, %select_n3A_20 : i32
    %ne3A_22 = arith.constant 0 : i32
    %ne3A_23 = arith.cmpi ne, %rem3A_21, %ne3A_22 : i32
    %lt3A = arith.constant 0 : i32
    %lt3A_24 = arith.cmpi slt, %rem3A_21, %lt3A : i32
    %lt3A_25 = arith.constant 0 : i32
    %lt3A_26 = arith.cmpi slt, %select_n3A_20, %lt3A_25 : i32
    %ne3A_27 = arith.xori %lt3A_24, %lt3A_26 : i1
    %and3A_28 = arith.andi %ne3A_27, %ne3A_23 : i1
    %add3A_29 = arith.addi %rem3A_21, %select_n3A_20 : i32
    %select_n3A_30 = arith.select %and3A_28, %add3A_29, %rem3A_21 : i32
    "tpu.region"() ({
      %run_scoped3A = tpu.sem_alloc : memref<!tpu.dma_semaphore, #tpu.memory_space<semaphore_mem>>
      %dma_start3A_123 = arith.constant 0 : i32
      %dma_start3A_124 = tpu.memref_slice %arg3[%select_n3A_30, %dma_start3A_123] : memref<8x16xi32, #tpu.memory_space<hbm>> -> memref<1x16xi32, #tpu.memory_space<hbm>>
      %dma_start3A_125 = tpu.memref_squeeze %dma_start3A_124 : memref<1x16xi32, #tpu.memory_space<hbm>> -> memref<16xi32, #tpu.memory_space<hbm>>
      %dma_start3A_126 = arith.constant 0 : i32
      %dma_start3A_127 = tpu.memref_slice %arg3[%select_n3A_30, %dma_start3A_126] : memref<8x16xi32, #tpu.memory_space<hbm>> -> memref<1x16xi32, #tpu.memory_space<hbm>>
      %dma_start3A_128 = tpu.memref_squeeze %dma_start3A_127 : memref<1x16xi32, #tpu.memory_space<hbm>> -> memref<16xi32, #tpu.memory_space<hbm>>
      tpu.enqueue_dma source(%dma_start3A_128 : memref<16xi32, #tpu.memory_space<hbm>>) target(%arg10 : memref<16xi32, #tpu.memory_space<vmem>>) target_semaphore(%run_scoped3A : memref<!tpu.dma_semaphore, #tpu.memory_space<semaphore_mem>>)
      %dma_wait3A_129 = arith.constant 0 : i32
      %dma_wait3A_130 = tpu.memref_slice %arg3[%select_n3A_30, %dma_wait3A_129] : memref<8x16xi32, #tpu.memory_space<hbm>> -> memref<1x16xi32, #tpu.memory_space<hbm>>
      %dma_wait3A_131 = tpu.memref_squeeze %dma_wait3A_130 : memref<1x16xi32, #tpu.memory_space<hbm>> -> memref<16xi32, #tpu.memory_space<hbm>>
      %dma_wait3A_132 = arith.constant 0 : i32
      %dma_wait3A_133 = tpu.memref_slice %arg3[%select_n3A_30, %dma_wait3A_132] : memref<8x16xi32, #tpu.memory_space<hbm>> -> memref<1x16xi32, #tpu.memory_space<hbm>>
      %dma_wait3A_134 = tpu.memref_squeeze %dma_wait3A_133 : memref<1x16xi32, #tpu.memory_space<hbm>> -> memref<16xi32, #tpu.memory_space<hbm>>
      tpu.wait_dma2 semaphore(%run_scoped3A : memref<!tpu.dma_semaphore, #tpu.memory_space<semaphore_mem>>) src(%dma_wait3A_134 : memref<16xi32, #tpu.memory_space<hbm>>) dst(%arg10 : memref<16xi32, #tpu.memory_space<vmem>>)
      tpu.yield
    }) : () -> ()
    "tpu.region"() ({
      %run_scoped3A = tpu.sem_alloc : memref<!tpu.dma_semaphore, #tpu.memory_space<semaphore_mem>>
      %dma_start3A_123 = arith.constant 0 : i32
      %dma_start3A_124 = arith.constant 0 : i32
      %dma_start3A_125 = tpu.memref_slice %arg2[%select_n3A, %select_n3A_30, %dma_start3A_123, %dma_start3A_124] : memref<4x8x32x128xi32, #tpu.memory_space<hbm>> -> memref<1x1x32x128xi32, #tpu.memory_space<hbm>>
      %dma_start3A_126 = tpu.memref_squeeze %dma_start3A_125 : memref<1x1x32x128xi32, #tpu.memory_space<hbm>> -> memref<32x128xi32, #tpu.memory_space<hbm>>
      %dma_start3A_127 = arith.constant 0 : i32
      %dma_start3A_128 = arith.constant 0 : i32
      %dma_start3A_129 = tpu.memref_slice %arg2[%select_n3A, %select_n3A_30, %dma_start3A_127, %dma_start3A_128] : memref<4x8x32x128xi32, #tpu.memory_space<hbm>> -> memref<1x1x32x128xi32, #tpu.memory_space<hbm>>
      %dma_start3A_130 = tpu.memref_squeeze %dma_start3A_129 : memref<1x1x32x128xi32, #tpu.memory_space<hbm>> -> memref<32x128xi32, #tpu.memory_space<hbm>>
      tpu.enqueue_dma source(%dma_start3A_130 : memref<32x128xi32, #tpu.memory_space<hbm>>) target(%arg6 : memref<32x128xi32, #tpu.memory_space<vmem>>) target_semaphore(%run_scoped3A : memref<!tpu.dma_semaphore, #tpu.memory_space<semaphore_mem>>)
      %dma_wait3A_131 = arith.constant 0 : i32
      %dma_wait3A_132 = arith.constant 0 : i32
      %dma_wait3A_133 = tpu.memref_slice %arg2[%select_n3A, %select_n3A_30, %dma_wait3A_131, %dma_wait3A_132] : memref<4x8x32x128xi32, #tpu.memory_space<hbm>> -> memref<1x1x32x128xi32, #tpu.memory_space<hbm>>
      %dma_wait3A_134 = tpu.memref_squeeze %dma_wait3A_133 : memref<1x1x32x128xi32, #tpu.memory_space<hbm>> -> memref<32x128xi32, #tpu.memory_space<hbm>>
      %dma_wait3A_135 = arith.constant 0 : i32
      %dma_wait3A_136 = arith.constant 0 : i32
      %dma_wait3A_137 = tpu.memref_slice %arg2[%select_n3A, %select_n3A_30, %dma_wait3A_135, %dma_wait3A_136] : memref<4x8x32x128xi32, #tpu.memory_space<hbm>> -> memref<1x1x32x128xi32, #tpu.memory_space<hbm>>
      %dma_wait3A_138 = tpu.memref_squeeze %dma_wait3A_137 : memref<1x1x32x128xi32, #tpu.memory_space<hbm>> -> memref<32x128xi32, #tpu.memory_space<hbm>>
      tpu.wait_dma2 semaphore(%run_scoped3A : memref<!tpu.dma_semaphore, #tpu.memory_space<semaphore_mem>>) src(%dma_wait3A_138 : memref<32x128xi32, #tpu.memory_space<hbm>>) dst(%arg6 : memref<32x128xi32, #tpu.memory_space<vmem>>)
      tpu.yield
    }) : () -> ()
    %get3A = arith.constant 0 : index
    %get3A_31 = tpu.vector_load %arg10[%get3A] {strides = array<i32>} : memref<16xi32, #tpu.memory_space<vmem>>, vector<16xi32>,
    %scan3A = arith.constant 0 : i32
    %scan3A_32 = arith.constant 0 : i32
    %scan3A_33 = arith.constant 32 : i32
    %scan3A_34 = arith.addi %scan3A_32, %scan3A_33 : i32
    %scan3A_35 = arith.constant 1 : i32
    scf.for %scan3A_123 = %scan3A_32 to %scan3A_34 step %scan3A_35  : i32 {
      %get3A_124 = arith.index_cast %scan3A_123 : i32 to index
      %get3A_125 = arith.constant 0 : index
      %get3A_126 = tpu.vector_load %arg6[%get3A_124, %get3A_125] {strides = array<i32>} : memref<32x128xi32, #tpu.memory_space<vmem>>, vector<16xi32>,
      %add3A_127 = arith.addi %get3A_126, %get3A_31 : vector<16xi32>
      %jit3A_128 = arith.constant 4 : i32
      %div3A_129 = vector.broadcast %jit3A_128 : i32 to vector<16xi32>
      %div3A_130 = arith.divsi %add3A_127, %div3A_129 : vector<16xi32>
      %sign3A_131 = arith.constant 0 : i32
      %sign3A_132 = vector.broadcast %sign3A_131 : i32 to vector<16xi32>
      %sign3A_133 = arith.cmpi sgt, %add3A_127, %sign3A_132 : vector<16xi32>
      %sign3A_134 = arith.extui %sign3A_133 : vector<16xi1> to vector<16xi32>
      %sign3A_135 = arith.constant 0 : i32
      %sign3A_136 = vector.broadcast %sign3A_135 : i32 to vector<16xi32>
      %sign3A_137 = arith.cmpi slt, %add3A_127, %sign3A_136 : vector<16xi32>
      %sign3A_138 = arith.extui %sign3A_137 : vector<16xi1> to vector<16xi32>
      %sign3A_139 = arith.subi %sign3A_134, %sign3A_138 : vector<16xi32>
      %sign3A_140 = arith.constant 0 : i32
      %sign3A_141 = arith.cmpi sgt, %jit3A_128, %sign3A_140 : i32
      %sign3A_142 = arith.extui %sign3A_141 : i1 to i32
      %sign3A_143 = arith.constant 0 : i32
      %sign3A_144 = arith.cmpi slt, %jit3A_128, %sign3A_143 : i32
      %sign3A_145 = arith.extui %sign3A_144 : i1 to i32
      %sign3A_146 = arith.subi %sign3A_142, %sign3A_145 : i32
      %ne3A_147 = vector.broadcast %sign3A_146 : i32 to vector<16xi32>
      %ne3A_148 = arith.cmpi ne, %sign3A_139, %ne3A_147 : vector<16xi32>
      %rem3A_149 = vector.broadcast %jit3A_128 : i32 to vector<16xi32>
      %rem3A_150 = arith.remsi %add3A_127, %rem3A_149 : vector<16xi32>
      %ne3A_151 = arith.constant 0 : i32
      %ne3A_152 = vector.broadcast %ne3A_151 : i32 to vector<16xi32>
      %ne3A_153 = arith.cmpi ne, %rem3A_150, %ne3A_152 : vector<16xi32>
      %and3A_154 = arith.andi %ne3A_148, %ne3A_153 : vector<16xi1>
      %sub3A_155 = arith.constant 1 : i32
      %sub3A_156 = vector.broadcast %sub3A_155 : i32 to vector<16xi32>
      %sub3A_157 = arith.subi %div3A_130, %sub3A_156 : vector<16xi32>
      %select_n3A_158 = arith.select %and3A_154, %sub3A_157, %div3A_130 : vector<16xi1>, vector<16xi32>
      %swap3A = arith.index_cast %scan3A_123 : i32 to index
      %swap3A_159 = arith.constant 0 : index
      %swap3A_160 = tpu.vector_load %arg6[%swap3A, %swap3A_159] {strides = array<i32>} : memref<32x128xi32, #tpu.memory_space<vmem>>, vector<16xi32>,
      tpu.vector_store %arg6[%swap3A, %swap3A_159], %select_n3A_158 {strides = array<i32>} : memref<32x128xi32, #tpu.memory_space<vmem>>, vector<16xi32>,
      %jit3A_161 = arith.constant 4 : i32
      %eq3A_162 = arith.constant 0 : i32
      %eq3A_163 = arith.cmpi eq, %jit3A_161, %eq3A_162 : i32
      %jit3A_164 = arith.constant 1 : i32
      %select_n3A_165 = arith.select %eq3A_163, %jit3A_164, %jit3A_161 : i32
      %rem3A_166 = vector.broadcast %select_n3A_165 : i32 to vector<16xi32>
      %rem3A_167 = arith.remsi %add3A_127, %rem3A_166 : vector<16xi32>
      %ne3A_168 = arith.constant 0 : i32
      %ne3A_169 = vector.broadcast %ne3A_168 : i32 to vector<16xi32>
      %ne3A_170 = arith.cmpi ne, %rem3A_167, %ne3A_169 : vector<16xi32>
      %lt3A_171 = arith.constant 0 : i32
      %lt3A_172 = vector.broadcast %lt3A_171 : i32 to vector<16xi32>
      %lt3A_173 = arith.cmpi slt, %rem3A_167, %lt3A_172 : vector<16xi32>
      %lt3A_174 = arith.constant 0 : i32
      %lt3A_175 = arith.cmpi slt, %select_n3A_165, %lt3A_174 : i32
      %ne3A_176 = vector.broadcast %lt3A_175 : i1 to vector<16xi1>
      %ne3A_177 = vector.broadcast %ne3A_176 : vector<16xi1> to vector<16xi1>
      %ne3A_178 = arith.xori %lt3A_173, %ne3A_177 : vector<16xi1>
      %and3A_179 = arith.andi %ne3A_178, %ne3A_170 : vector<16xi1>
      %add3A_180 = vector.broadcast %select_n3A_165 : i32 to vector<16xi32>
      %add3A_181 = arith.addi %rem3A_167, %add3A_180 : vector<16xi32>
      %select_n3A_182 = arith.select %and3A_179, %add3A_181, %rem3A_167 : vector<16xi1>, vector<16xi32>
      %mul3A_183 = arith.constant 32 : i32
      %mul3A_184 = vector.broadcast %mul3A_183 : i32 to vector<16xi32>
      %mul3A_185 = arith.muli %select_n3A_182, %mul3A_184 : vector<16xi32>
      %swap3A_186 = arith.index_cast %scan3A_123 : i32 to index
      %swap3A_187 = arith.constant 0 : index
      %swap3A_188 = tpu.vector_load %arg7[%swap3A_186, %swap3A_187] {strides = array<i32>} : memref<32x128xi32, #tpu.memory_space<vmem>>, vector<16xi32>,
      tpu.vector_store %arg7[%swap3A_186, %swap3A_187], %mul3A_185 {strides = array<i32>} : memref<32x128xi32, #tpu.memory_space<vmem>>, vector<16xi32>,
      %get3A_189 = arith.index_cast %scan3A_123 : i32 to index
      %get3A_190 = arith.constant 16 : index
      %get3A_191 = tpu.vector_load %arg6[%get3A_189, %get3A_190] {strides = array<i32>} : memref<32x128xi32, #tpu.memory_space<vmem>>, vector<16xi32>,
      %add3A_192 = arith.addi %get3A_191, %get3A_31 : vector<16xi32>
      %jit3A_193 = arith.constant 4 : i32
      %div3A_194 = vector.broadcast %jit3A_193 : i32 to vector<16xi32>
      %div3A_195 = arith.divsi %add3A_192, %div3A_194 : vector<16xi32>
      %sign3A_196 = arith.constant 0 : i32
      %sign3A_197 = vector.broadcast %sign3A_196 : i32 to vector<16xi32>
      %sign3A_198 = arith.cmpi sgt, %add3A_192, %sign3A_197 : vector<16xi32>
      %sign3A_199 = arith.extui %sign3A_198 : vector<16xi1> to vector<16xi32>
      %sign3A_200 = arith.constant 0 : i32
      %sign3A_201 = vector.broadcast %sign3A_200 : i32 to vector<16xi32>
      %sign3A_202 = arith.cmpi slt, %add3A_192, %sign3A_201 : vector<16xi32>
      %sign3A_203 = arith.extui %sign3A_202 : vector<16xi1> to vector<16xi32>
      %sign3A_204 = arith.subi %sign3A_199, %sign3A_203 : vector<16xi32>
      %sign3A_205 = arith.constant 0 : i32
      %sign3A_206 = arith.cmpi sgt, %jit3A_193, %sign3A_205 : i32
      %sign3A_207 = arith.extui %sign3A_206 : i1 to i32
      %sign3A_208 = arith.constant 0 : i32
      %sign3A_209 = arith.cmpi slt, %jit3A_193, %sign3A_208 : i32
      %sign3A_210 = arith.extui %sign3A_209 : i1 to i32
      %sign3A_211 = arith.subi %sign3A_207, %sign3A_210 : i32
      %ne3A_212 = vector.broadcast %sign3A_211 : i32 to vector<16xi32>
      %ne3A_213 = arith.cmpi ne, %sign3A_204, %ne3A_212 : vector<16xi32>
      %rem3A_214 = vector.broadcast %jit3A_193 : i32 to vector<16xi32>
      %rem3A_215 = arith.remsi %add3A_192, %rem3A_214 : vector<16xi32>
      %ne3A_216 = arith.constant 0 : i32
      %ne3A_217 = vector.broadcast %ne3A_216 : i32 to vector<16xi32>
      %ne3A_218 = arith.cmpi ne, %rem3A_215, %ne3A_217 : vector<16xi32>
      %and3A_219 = arith.andi %ne3A_213, %ne3A_218 : vector<16xi1>
      %sub3A_220 = arith.constant 1 : i32
      %sub3A_221 = vector.broadcast %sub3A_220 : i32 to vector<16xi32>
      %sub3A_222 = arith.subi %div3A_195, %sub3A_221 : vector<16xi32>
      %select_n3A_223 = arith.select %and3A_219, %sub3A_222, %div3A_195 : vector<16xi1>, vector<16xi32>
      %swap3A_224 = arith.index_cast %scan3A_123 : i32 to index
      %swap3A_225 = arith.constant 16 : index
      %swap3A_226 = tpu.vector_load %arg6[%swap3A_224, %swap3A_225] {strides = array<i32>} : memref<32x128xi32, #tpu.memory_space<vmem>>, vector<16xi32>,
      tpu.vector_store %arg6[%swap3A_224, %swap3A_225], %select_n3A_223 {strides = array<i32>} : memref<32x128xi32, #tpu.memory_space<vmem>>, vector<16xi32>,
      %jit3A_227 = arith.constant 4 : i32
      %eq3A_228 = arith.constant 0 : i32
      %eq3A_229 = arith.cmpi eq, %jit3A_227, %eq3A_228 : i32
      %jit3A_230 = arith.constant 1 : i32
      %select_n3A_231 = arith.select %eq3A_229, %jit3A_230, %jit3A_227 : i32
      %rem3A_232 = vector.broadcast %select_n3A_231 : i32 to vector<16xi32>
      %rem3A_233 = arith.remsi %add3A_192, %rem3A_232 : vector<16xi32>
      %ne3A_234 = arith.constant 0 : i32
      %ne3A_235 = vector.broadcast %ne3A_234 : i32 to vector<16xi32>
      %ne3A_236 = arith.cmpi ne, %rem3A_233, %ne3A_235 : vector<16xi32>
      %lt3A_237 = arith.constant 0 : i32
      %lt3A_238 = vector.broadcast %lt3A_237 : i32 to vector<16xi32>
      %lt3A_239 = arith.cmpi slt, %rem3A_233, %lt3A_238 : vector<16xi32>
      %lt3A_240 = arith.constant 0 : i32
      %lt3A_241 = arith.cmpi slt, %select_n3A_231, %lt3A_240 : i32
      %ne3A_242 = vector.broadcast %lt3A_241 : i1 to vector<16xi1>
      %ne3A_243 = vector.broadcast %ne3A_242 : vector<16xi1> to vector<16xi1>
      %ne3A_244 = arith.xori %lt3A_239, %ne3A_243 : vector<16xi1>
      %and3A_245 = arith.andi %ne3A_244, %ne3A_236 : vector<16xi1>
      %add3A_246 = vector.broadcast %select_n3A_231 : i32 to vector<16xi32>
      %add3A_247 = arith.addi %rem3A_233, %add3A_246 : vector<16xi32>
      %select_n3A_248 = arith.select %and3A_245, %add3A_247, %rem3A_233 : vector<16xi1>, vector<16xi32>
      %mul3A_249 = arith.constant 32 : i32
      %mul3A_250 = vector.broadcast %mul3A_249 : i32 to vector<16xi32>
      %mul3A_251 = arith.muli %select_n3A_248, %mul3A_250 : vector<16xi32>
      %swap3A_252 = arith.index_cast %scan3A_123 : i32 to index
      %swap3A_253 = arith.constant 16 : index
      %swap3A_254 = tpu.vector_load %arg7[%swap3A_252, %swap3A_253] {strides = array<i32>} : memref<32x128xi32, #tpu.memory_space<vmem>>, vector<16xi32>,
      tpu.vector_store %arg7[%swap3A_252, %swap3A_253], %mul3A_251 {strides = array<i32>} : memref<32x128xi32, #tpu.memory_space<vmem>>, vector<16xi32>,
      %get3A_255 = arith.index_cast %scan3A_123 : i32 to index
      %get3A_256 = arith.constant 32 : index
      %get3A_257 = tpu.vector_load %arg6[%get3A_255, %get3A_256] {strides = array<i32>} : memref<32x128xi32, #tpu.memory_space<vmem>>, vector<16xi32>,
      %add3A_258 = arith.addi %get3A_257, %get3A_31 : vector<16xi32>
      %jit3A_259 = arith.constant 4 : i32
      %div3A_260 = vector.broadcast %jit3A_259 : i32 to vector<16xi32>
      %div3A_261 = arith.divsi %add3A_258, %div3A_260 : vector<16xi32>
      %sign3A_262 = arith.constant 0 : i32
      %sign3A_263 = vector.broadcast %sign3A_262 : i32 to vector<16xi32>
      %sign3A_264 = arith.cmpi sgt, %add3A_258, %sign3A_263 : vector<16xi32>
      %sign3A_265 = arith.extui %sign3A_264 : vector<16xi1> to vector<16xi32>
      %sign3A_266 = arith.constant 0 : i32
      %sign3A_267 = vector.broadcast %sign3A_266 : i32 to vector<16xi32>
      %sign3A_268 = arith.cmpi slt, %add3A_258, %sign3A_267 : vector<16xi32>
      %sign3A_269 = arith.extui %sign3A_268 : vector<16xi1> to vector<16xi32>
      %sign3A_270 = arith.subi %sign3A_265, %sign3A_269 : vector<16xi32>
      %sign3A_271 = arith.constant 0 : i32
      %sign3A_272 = arith.cmpi sgt, %jit3A_259, %sign3A_271 : i32
      %sign3A_273 = arith.extui %sign3A_272 : i1 to i32
      %sign3A_274 = arith.constant 0 : i32
      %sign3A_275 = arith.cmpi slt, %jit3A_259, %sign3A_274 : i32
      %sign3A_276 = arith.extui %sign3A_275 : i1 to i32
      %sign3A_277 = arith.subi %sign3A_273, %sign3A_276 : i32
      %ne3A_278 = vector.broadcast %sign3A_277 : i32 to vector<16xi32>
      %ne3A_279 = arith.cmpi ne, %sign3A_270, %ne3A_278 : vector<16xi32>
      %rem3A_280 = vector.broadcast %jit3A_259 : i32 to vector<16xi32>
      %rem3A_281 = arith.remsi %add3A_258, %rem3A_280 : vector<16xi32>
      %ne3A_282 = arith.constant 0 : i32
      %ne3A_283 = vector.broadcast %ne3A_282 : i32 to vector<16xi32>
      %ne3A_284 = arith.cmpi ne, %rem3A_281, %ne3A_283 : vector<16xi32>
      %and3A_285 = arith.andi %ne3A_279, %ne3A_284 : vector<16xi1>
      %sub3A_286 = arith.constant 1 : i32
      %sub3A_287 = vector.broadcast %sub3A_286 : i32 to vector<16xi32>
      %sub3A_288 = arith.subi %div3A_261, %sub3A_287 : vector<16xi32>
      %select_n3A_289 = arith.select %and3A_285, %sub3A_288, %div3A_261 : vector<16xi1>, vector<16xi32>
      %swap3A_290 = arith.index_cast %scan3A_123 : i32 to index
      %swap3A_291 = arith.constant 32 : index
      %swap3A_292 = tpu.vector_load %arg6[%swap3A_290, %swap3A_291] {strides = array<i32>} : memref<32x128xi32, #tpu.memory_space<vmem>>, vector<16xi32>,
      tpu.vector_store %arg6[%swap3A_290, %swap3A_291], %select_n3A_289 {strides = array<i32>} : memref<32x128xi32, #tpu.memory_space<vmem>>, vector<16xi32>,
      %jit3A_293 = arith.constant 4 : i32
      %eq3A_294 = arith.constant 0 : i32
      %eq3A_295 = arith.cmpi eq, %jit3A_293, %eq3A_294 : i32
      %jit3A_296 = arith.constant 1 : i32
      %select_n3A_297 = arith.select %eq3A_295, %jit3A_296, %jit3A_293 : i32
      %rem3A_298 = vector.broadcast %select_n3A_297 : i32 to vector<16xi32>
      %rem3A_299 = arith.remsi %add3A_258, %rem3A_298 : vector<16xi32>
      %ne3A_300 = arith.constant 0 : i32
      %ne3A_301 = vector.broadcast %ne3A_300 : i32 to vector<16xi32>
      %ne3A_302 = arith.cmpi ne, %rem3A_299, %ne3A_301 : vector<16xi32>
      %lt3A_303 = arith.constant 0 : i32
      %lt3A_304 = vector.broadcast %lt3A_303 : i32 to vector<16xi32>
      %lt3A_305 = arith.cmpi slt, %rem3A_299, %lt3A_304 : vector<16xi32>
      %lt3A_306 = arith.constant 0 : i32
      %lt3A_307 = arith.cmpi slt, %select_n3A_297, %lt3A_306 : i32
      %ne3A_308 = vector.broadcast %lt3A_307 : i1 to vector<16xi1>
      %ne3A_309 = vector.broadcast %ne3A_308 : vector<16xi1> to vector<16xi1>
      %ne3A_310 = arith.xori %lt3A_305, %ne3A_309 : vector<16xi1>
      %and3A_311 = arith.andi %ne3A_310, %ne3A_302 : vector<16xi1>
      %add3A_312 = vector.broadcast %select_n3A_297 : i32 to vector<16xi32>
      %add3A_313 = arith.addi %rem3A_299, %add3A_312 : vector<16xi32>
      %select_n3A_314 = arith.select %and3A_311, %add3A_313, %rem3A_299 : vector<16xi1>, vector<16xi32>
      %mul3A_315 = arith.constant 32 : i32
      %mul3A_316 = vector.broadcast %mul3A_315 : i32 to vector<16xi32>
      %mul3A_317 = arith.muli %select_n3A_314, %mul3A_316 : vector<16xi32>
      %swap3A_318 = arith.index_cast %scan3A_123 : i32 to index
      %swap3A_319 = arith.constant 32 : index
      %swap3A_320 = tpu.vector_load %arg7[%swap3A_318, %swap3A_319] {strides = array<i32>} : memref<32x128xi32, #tpu.memory_space<vmem>>, vector<16xi32>,
      tpu.vector_store %arg7[%swap3A_318, %swap3A_319], %mul3A_317 {strides = array<i32>} : memref<32x128xi32, #tpu.memory_space<vmem>>, vector<16xi32>,
      %get3A_321 = arith.index_cast %scan3A_123 : i32 to index
      %get3A_322 = arith.constant 48 : index
      %get3A_323 = tpu.vector_load %arg6[%get3A_321, %get3A_322] {strides = array<i32>} : memref<32x128xi32, #tpu.memory_space<vmem>>, vector<16xi32>,
      %add3A_324 = arith.addi %get3A_323, %get3A_31 : vector<16xi32>
      %jit3A_325 = arith.constant 4 : i32
      %div3A_326 = vector.broadcast %jit3A_325 : i32 to vector<16xi32>
      %div3A_327 = arith.divsi %add3A_324, %div3A_326 : vector<16xi32>
      %sign3A_328 = arith.constant 0 : i32
      %sign3A_329 = vector.broadcast %sign3A_328 : i32 to vector<16xi32>
      %sign3A_330 = arith.cmpi sgt, %add3A_324, %sign3A_329 : vector<16xi32>
      %sign3A_331 = arith.extui %sign3A_330 : vector<16xi1> to vector<16xi32>
      %sign3A_332 = arith.constant 0 : i32
      %sign3A_333 = vector.broadcast %sign3A_332 : i32 to vector<16xi32>
      %sign3A_334 = arith.cmpi slt, %add3A_324, %sign3A_333 : vector<16xi32>
      %sign3A_335 = arith.extui %sign3A_334 : vector<16xi1> to vector<16xi32>
      %sign3A_336 = arith.subi %sign3A_331, %sign3A_335 : vector<16xi32>
      %sign3A_337 = arith.constant 0 : i32
      %sign3A_338 = arith.cmpi sgt, %jit3A_325, %sign3A_337 : i32
      %sign3A_339 = arith.extui %sign3A_338 : i1 to i32
      %sign3A_340 = arith.constant 0 : i32
      %sign3A_341 = arith.cmpi slt, %jit3A_325, %sign3A_340 : i32
      %sign3A_342 = arith.extui %sign3A_341 : i1 to i32
      %sign3A_343 = arith.subi %sign3A_339, %sign3A_342 : i32
      %ne3A_344 = vector.broadcast %sign3A_343 : i32 to vector<16xi32>
      %ne3A_345 = arith.cmpi ne, %sign3A_336, %ne3A_344 : vector<16xi32>
      %rem3A_346 = vector.broadcast %jit3A_325 : i32 to vector<16xi32>
      %rem3A_347 = arith.remsi %add3A_324, %rem3A_346 : vector<16xi32>
      %ne3A_348 = arith.constant 0 : i32
      %ne3A_349 = vector.broadcast %ne3A_348 : i32 to vector<16xi32>
      %ne3A_350 = arith.cmpi ne, %rem3A_347, %ne3A_349 : vector<16xi32>
      %and3A_351 = arith.andi %ne3A_345, %ne3A_350 : vector<16xi1>
      %sub3A_352 = arith.constant 1 : i32
      %sub3A_353 = vector.broadcast %sub3A_352 : i32 to vector<16xi32>
      %sub3A_354 = arith.subi %div3A_327, %sub3A_353 : vector<16xi32>
      %select_n3A_355 = arith.select %and3A_351, %sub3A_354, %div3A_327 : vector<16xi1>, vector<16xi32>
      %swap3A_356 = arith.index_cast %scan3A_123 : i32 to index
      %swap3A_357 = arith.constant 48 : index
      %swap3A_358 = tpu.vector_load %arg6[%swap3A_356, %swap3A_357] {strides = array<i32>} : memref<32x128xi32, #tpu.memory_space<vmem>>, vector<16xi32>,
      tpu.vector_store %arg6[%swap3A_356, %swap3A_357], %select_n3A_355 {strides = array<i32>} : memref<32x128xi32, #tpu.memory_space<vmem>>, vector<16xi32>,
      %jit3A_359 = arith.constant 4 : i32
      %eq3A_360 = arith.constant 0 : i32
      %eq3A_361 = arith.cmpi eq, %jit3A_359, %eq3A_360 : i32
      %jit3A_362 = arith.constant 1 : i32
      %select_n3A_363 = arith.select %eq3A_361, %jit3A_362, %jit3A_359 : i32
      %rem3A_364 = vector.broadcast %select_n3A_363 : i32 to vector<16xi32>
      %rem3A_365 = arith.remsi %add3A_324, %rem3A_364 : vector<16xi32>
      %ne3A_366 = arith.constant 0 : i32
      %ne3A_367 = vector.broadcast %ne3A_366 : i32 to vector<16xi32>
      %ne3A_368 = arith.cmpi ne, %rem3A_365, %ne3A_367 : vector<16xi32>
      %lt3A_369 = arith.constant 0 : i32
      %lt3A_370 = vector.broadcast %lt3A_369 : i32 to vector<16xi32>
      %lt3A_371 = arith.cmpi slt, %rem3A_365, %lt3A_370 : vector<16xi32>
      %lt3A_372 = arith.constant 0 : i32
      %lt3A_373 = arith.cmpi slt, %select_n3A_363, %lt3A_372 : i32
      %ne3A_374 = vector.broadcast %lt3A_373 : i1 to vector<16xi1>
      %ne3A_375 = vector.broadcast %ne3A_374 : vector<16xi1> to vector<16xi1>
      %ne3A_376 = arith.xori %lt3A_371, %ne3A_375 : vector<16xi1>
      %and3A_377 = arith.andi %ne3A_376, %ne3A_368 : vector<16xi1>
      %add3A_378 = vector.broadcast %select_n3A_363 : i32 to vector<16xi32>
      %add3A_379 = arith.addi %rem3A_365, %add3A_378 : vector<16xi32>
      %select_n3A_380 = arith.select %and3A_377, %add3A_379, %rem3A_365 : vector<16xi1>, vector<16xi32>
      %mul3A_381 = arith.constant 32 : i32
      %mul3A_382 = vector.broadcast %mul3A_381 : i32 to vector<16xi32>
      %mul3A_383 = arith.muli %select_n3A_380, %mul3A_382 : vector<16xi32>
      %swap3A_384 = arith.index_cast %scan3A_123 : i32 to index
      %swap3A_385 = arith.constant 48 : index
      %swap3A_386 = tpu.vector_load %arg7[%swap3A_384, %swap3A_385] {strides = array<i32>} : memref<32x128xi32, #tpu.memory_space<vmem>>, vector<16xi32>,
      tpu.vector_store %arg7[%swap3A_384, %swap3A_385], %mul3A_383 {strides = array<i32>} : memref<32x128xi32, #tpu.memory_space<vmem>>, vector<16xi32>,
      %get3A_387 = arith.index_cast %scan3A_123 : i32 to index
      %get3A_388 = arith.constant 64 : index
      %get3A_389 = tpu.vector_load %arg6[%get3A_387, %get3A_388] {strides = array<i32>} : memref<32x128xi32, #tpu.memory_space<vmem>>, vector<16xi32>,
      %add3A_390 = arith.addi %get3A_389, %get3A_31 : vector<16xi32>
      %jit3A_391 = arith.constant 4 : i32
      %div3A_392 = vector.broadcast %jit3A_391 : i32 to vector<16xi32>
      %div3A_393 = arith.divsi %add3A_390, %div3A_392 : vector<16xi32>
      %sign3A_394 = arith.constant 0 : i32
      %sign3A_395 = vector.broadcast %sign3A_394 : i32 to vector<16xi32>
      %sign3A_396 = arith.cmpi sgt, %add3A_390, %sign3A_395 : vector<16xi32>
      %sign3A_397 = arith.extui %sign3A_396 : vector<16xi1> to vector<16xi32>
      %sign3A_398 = arith.constant 0 : i32
      %sign3A_399 = vector.broadcast %sign3A_398 : i32 to vector<16xi32>
      %sign3A_400 = arith.cmpi slt, %add3A_390, %sign3A_399 : vector<16xi32>
      %sign3A_401 = arith.extui %sign3A_400 : vector<16xi1> to vector<16xi32>
      %sign3A_402 = arith.subi %sign3A_397, %sign3A_401 : vector<16xi32>
      %sign3A_403 = arith.constant 0 : i32
      %sign3A_404 = arith.cmpi sgt, %jit3A_391, %sign3A_403 : i32
      %sign3A_405 = arith.extui %sign3A_404 : i1 to i32
      %sign3A_406 = arith.constant 0 : i32
      %sign3A_407 = arith.cmpi slt, %jit3A_391, %sign3A_406 : i32
      %sign3A_408 = arith.extui %sign3A_407 : i1 to i32
      %sign3A_409 = arith.subi %sign3A_405, %sign3A_408 : i32
      %ne3A_410 = vector.broadcast %sign3A_409 : i32 to vector<16xi32>
      %ne3A_411 = arith.cmpi ne, %sign3A_402, %ne3A_410 : vector<16xi32>
      %rem3A_412 = vector.broadcast %jit3A_391 : i32 to vector<16xi32>
      %rem3A_413 = arith.remsi %add3A_390, %rem3A_412 : vector<16xi32>
      %ne3A_414 = arith.constant 0 : i32
      %ne3A_415 = vector.broadcast %ne3A_414 : i32 to vector<16xi32>
      %ne3A_416 = arith.cmpi ne, %rem3A_413, %ne3A_415 : vector<16xi32>
      %and3A_417 = arith.andi %ne3A_411, %ne3A_416 : vector<16xi1>
      %sub3A_418 = arith.constant 1 : i32
      %sub3A_419 = vector.broadcast %sub3A_418 : i32 to vector<16xi32>
      %sub3A_420 = arith.subi %div3A_393, %sub3A_419 : vector<16xi32>
      %select_n3A_421 = arith.select %and3A_417, %sub3A_420, %div3A_393 : vector<16xi1>, vector<16xi32>
      %swap3A_422 = arith.index_cast %scan3A_123 : i32 to index
      %swap3A_423 = arith.constant 64 : index
      %swap3A_424 = tpu.vector_load %arg6[%swap3A_422, %swap3A_423] {strides = array<i32>} : memref<32x128xi32, #tpu.memory_space<vmem>>, vector<16xi32>,
      tpu.vector_store %arg6[%swap3A_422, %swap3A_423], %select_n3A_421 {strides = array<i32>} : memref<32x128xi32, #tpu.memory_space<vmem>>, vector<16xi32>,
      %jit3A_425 = arith.constant 4 : i32
      %eq3A_426 = arith.constant 0 : i32
      %eq3A_427 = arith.cmpi eq, %jit3A_425, %eq3A_426 : i32
      %jit3A_428 = arith.constant 1 : i32
      %select_n3A_429 = arith.select %eq3A_427, %jit3A_428, %jit3A_425 : i32
      %rem3A_430 = vector.broadcast %select_n3A_429 : i32 to vector<16xi32>
      %rem3A_431 = arith.remsi %add3A_390, %rem3A_430 : vector<16xi32>
      %ne3A_432 = arith.constant 0 : i32
      %ne3A_433 = vector.broadcast %ne3A_432 : i32 to vector<16xi32>
      %ne3A_434 = arith.cmpi ne, %rem3A_431, %ne3A_433 : vector<16xi32>
      %lt3A_435 = arith.constant 0 : i32
      %lt3A_436 = vector.broadcast %lt3A_435 : i32 to vector<16xi32>
      %lt3A_437 = arith.cmpi slt, %rem3A_431, %lt3A_436 : vector<16xi32>
      %lt3A_438 = arith.constant 0 : i32
      %lt3A_439 = arith.cmpi slt, %select_n3A_429, %lt3A_438 : i32
      %ne3A_440 = vector.broadcast %lt3A_439 : i1 to vector<16xi1>
      %ne3A_441 = vector.broadcast %ne3A_440 : vector<16xi1> to vector<16xi1>
      %ne3A_442 = arith.xori %lt3A_437, %ne3A_441 : vector<16xi1>
      %and3A_443 = arith.andi %ne3A_442, %ne3A_434 : vector<16xi1>
      %add3A_444 = vector.broadcast %select_n3A_429 : i32 to vector<16xi32>
      %add3A_445 = arith.addi %rem3A_431, %add3A_444 : vector<16xi32>
      %select_n3A_446 = arith.select %and3A_443, %add3A_445, %rem3A_431 : vector<16xi1>, vector<16xi32>
      %mul3A_447 = arith.constant 32 : i32
      %mul3A_448 = vector.broadcast %mul3A_447 : i32 to vector<16xi32>
      %mul3A_449 = arith.muli %select_n3A_446, %mul3A_448 : vector<16xi32>
      %swap3A_450 = arith.index_cast %scan3A_123 : i32 to index
      %swap3A_451 = arith.constant 64 : index
      %swap3A_452 = tpu.vector_load %arg7[%swap3A_450, %swap3A_451] {strides = array<i32>} : memref<32x128xi32, #tpu.memory_space<vmem>>, vector<16xi32>,
      tpu.vector_store %arg7[%swap3A_450, %swap3A_451], %mul3A_449 {strides = array<i32>} : memref<32x128xi32, #tpu.memory_space<vmem>>, vector<16xi32>,
      %get3A_453 = arith.index_cast %scan3A_123 : i32 to index
      %get3A_454 = arith.constant 80 : index
      %get3A_455 = tpu.vector_load %arg6[%get3A_453, %get3A_454] {strides = array<i32>} : memref<32x128xi32, #tpu.memory_space<vmem>>, vector<16xi32>,
      %add3A_456 = arith.addi %get3A_455, %get3A_31 : vector<16xi32>
      %jit3A_457 = arith.constant 4 : i32
      %div3A_458 = vector.broadcast %jit3A_457 : i32 to vector<16xi32>
      %div3A_459 = arith.divsi %add3A_456, %div3A_458 : vector<16xi32>
      %sign3A_460 = arith.constant 0 : i32
      %sign3A_461 = vector.broadcast %sign3A_460 : i32 to vector<16xi32>
      %sign3A_462 = arith.cmpi sgt, %add3A_456, %sign3A_461 : vector<16xi32>
      %sign3A_463 = arith.extui %sign3A_462 : vector<16xi1> to vector<16xi32>
      %sign3A_464 = arith.constant 0 : i32
      %sign3A_465 = vector.broadcast %sign3A_464 : i32 to vector<16xi32>
      %sign3A_466 = arith.cmpi slt, %add3A_456, %sign3A_465 : vector<16xi32>
      %sign3A_467 = arith.extui %sign3A_466 : vector<16xi1> to vector<16xi32>
      %sign3A_468 = arith.subi %sign3A_463, %sign3A_467 : vector<16xi32>
      %sign3A_469 = arith.constant 0 : i32
      %sign3A_470 = arith.cmpi sgt, %jit3A_457, %sign3A_469 : i32
      %sign3A_471 = arith.extui %sign3A_470 : i1 to i32
      %sign3A_472 = arith.constant 0 : i32
      %sign3A_473 = arith.cmpi slt, %jit3A_457, %sign3A_472 : i32
      %sign3A_474 = arith.extui %sign3A_473 : i1 to i32
      %sign3A_475 = arith.subi %sign3A_471, %sign3A_474 : i32
      %ne3A_476 = vector.broadcast %sign3A_475 : i32 to vector<16xi32>
      %ne3A_477 = arith.cmpi ne, %sign3A_468, %ne3A_476 : vector<16xi32>
      %rem3A_478 = vector.broadcast %jit3A_457 : i32 to vector<16xi32>
      %rem3A_479 = arith.remsi %add3A_456, %rem3A_478 : vector<16xi32>
      %ne3A_480 = arith.constant 0 : i32
      %ne3A_481 = vector.broadcast %ne3A_480 : i32 to vector<16xi32>
      %ne3A_482 = arith.cmpi ne, %rem3A_479, %ne3A_481 : vector<16xi32>
      %and3A_483 = arith.andi %ne3A_477, %ne3A_482 : vector<16xi1>
      %sub3A_484 = arith.constant 1 : i32
      %sub3A_485 = vector.broadcast %sub3A_484 : i32 to vector<16xi32>
      %sub3A_486 = arith.subi %div3A_459, %sub3A_485 : vector<16xi32>
      %select_n3A_487 = arith.select %and3A_483, %sub3A_486, %div3A_459 : vector<16xi1>, vector<16xi32>
      %swap3A_488 = arith.index_cast %scan3A_123 : i32 to index
      %swap3A_489 = arith.constant 80 : index
      %swap3A_490 = tpu.vector_load %arg6[%swap3A_488, %swap3A_489] {strides = array<i32>} : memref<32x128xi32, #tpu.memory_space<vmem>>, vector<16xi32>,
      tpu.vector_store %arg6[%swap3A_488, %swap3A_489], %select_n3A_487 {strides = array<i32>} : memref<32x128xi32, #tpu.memory_space<vmem>>, vector<16xi32>,
      %jit3A_491 = arith.constant 4 : i32
      %eq3A_492 = arith.constant 0 : i32
      %eq3A_493 = arith.cmpi eq, %jit3A_491, %eq3A_492 : i32
      %jit3A_494 = arith.constant 1 : i32
      %select_n3A_495 = arith.select %eq3A_493, %jit3A_494, %jit3A_491 : i32
      %rem3A_496 = vector.broadcast %select_n3A_495 : i32 to vector<16xi32>
      %rem3A_497 = arith.remsi %add3A_456, %rem3A_496 : vector<16xi32>
      %ne3A_498 = arith.constant 0 : i32
      %ne3A_499 = vector.broadcast %ne3A_498 : i32 to vector<16xi32>
      %ne3A_500 = arith.cmpi ne, %rem3A_497, %ne3A_499 : vector<16xi32>
      %lt3A_501 = arith.constant 0 : i32
      %lt3A_502 = vector.broadcast %lt3A_501 : i32 to vector<16xi32>
      %lt3A_503 = arith.cmpi slt, %rem3A_497, %lt3A_502 : vector<16xi32>
      %lt3A_504 = arith.constant 0 : i32
      %lt3A_505 = arith.cmpi slt, %select_n3A_495, %lt3A_504 : i32
      %ne3A_506 = vector.broadcast %lt3A_505 : i1 to vector<16xi1>
      %ne3A_507 = vector.broadcast %ne3A_506 : vector<16xi1> to vector<16xi1>
      %ne3A_508 = arith.xori %lt3A_503, %ne3A_507 : vector<16xi1>
      %and3A_509 = arith.andi %ne3A_508, %ne3A_500 : vector<16xi1>
      %add3A_510 = vector.broadcast %select_n3A_495 : i32 to vector<16xi32>
      %add3A_511 = arith.addi %rem3A_497, %add3A_510 : vector<16xi32>
      %select_n3A_512 = arith.select %and3A_509, %add3A_511, %rem3A_497 : vector<16xi1>, vector<16xi32>
      %mul3A_513 = arith.constant 32 : i32
      %mul3A_514 = vector.broadcast %mul3A_513 : i32 to vector<16xi32>
      %mul3A_515 = arith.muli %select_n3A_512, %mul3A_514 : vector<16xi32>
      %swap3A_516 = arith.index_cast %scan3A_123 : i32 to index
      %swap3A_517 = arith.constant 80 : index
      %swap3A_518 = tpu.vector_load %arg7[%swap3A_516, %swap3A_517] {strides = array<i32>} : memref<32x128xi32, #tpu.memory_space<vmem>>, vector<16xi32>,
      tpu.vector_store %arg7[%swap3A_516, %swap3A_517], %mul3A_515 {strides = array<i32>} : memref<32x128xi32, #tpu.memory_space<vmem>>, vector<16xi32>,
      %get3A_519 = arith.index_cast %scan3A_123 : i32 to index
      %get3A_520 = arith.constant 96 : index
      %get3A_521 = tpu.vector_load %arg6[%get3A_519, %get3A_520] {strides = array<i32>} : memref<32x128xi32, #tpu.memory_space<vmem>>, vector<16xi32>,
      %add3A_522 = arith.addi %get3A_521, %get3A_31 : vector<16xi32>
      %jit3A_523 = arith.constant 4 : i32
      %div3A_524 = vector.broadcast %jit3A_523 : i32 to vector<16xi32>
      %div3A_525 = arith.divsi %add3A_522, %div3A_524 : vector<16xi32>
      %sign3A_526 = arith.constant 0 : i32
      %sign3A_527 = vector.broadcast %sign3A_526 : i32 to vector<16xi32>
      %sign3A_528 = arith.cmpi sgt, %add3A_522, %sign3A_527 : vector<16xi32>
      %sign3A_529 = arith.extui %sign3A_528 : vector<16xi1> to vector<16xi32>
      %sign3A_530 = arith.constant 0 : i32
      %sign3A_531 = vector.broadcast %sign3A_530 : i32 to vector<16xi32>
      %sign3A_532 = arith.cmpi slt, %add3A_522, %sign3A_531 : vector<16xi32>
      %sign3A_533 = arith.extui %sign3A_532 : vector<16xi1> to vector<16xi32>
      %sign3A_534 = arith.subi %sign3A_529, %sign3A_533 : vector<16xi32>
      %sign3A_535 = arith.constant 0 : i32
      %sign3A_536 = arith.cmpi sgt, %jit3A_523, %sign3A_535 : i32
      %sign3A_537 = arith.extui %sign3A_536 : i1 to i32
      %sign3A_538 = arith.constant 0 : i32
      %sign3A_539 = arith.cmpi slt, %jit3A_523, %sign3A_538 : i32
      %sign3A_540 = arith.extui %sign3A_539 : i1 to i32
      %sign3A_541 = arith.subi %sign3A_537, %sign3A_540 : i32
      %ne3A_542 = vector.broadcast %sign3A_541 : i32 to vector<16xi32>
      %ne3A_543 = arith.cmpi ne, %sign3A_534, %ne3A_542 : vector<16xi32>
      %rem3A_544 = vector.broadcast %jit3A_523 : i32 to vector<16xi32>
      %rem3A_545 = arith.remsi %add3A_522, %rem3A_544 : vector<16xi32>
      %ne3A_546 = arith.constant 0 : i32
      %ne3A_547 = vector.broadcast %ne3A_546 : i32 to vector<16xi32>
      %ne3A_548 = arith.cmpi ne, %rem3A_545, %ne3A_547 : vector<16xi32>
      %and3A_549 = arith.andi %ne3A_543, %ne3A_548 : vector<16xi1>
      %sub3A_550 = arith.constant 1 : i32
      %sub3A_551 = vector.broadcast %sub3A_550 : i32 to vector<16xi32>
      %sub3A_552 = arith.subi %div3A_525, %sub3A_551 : vector<16xi32>
      %select_n3A_553 = arith.select %and3A_549, %sub3A_552, %div3A_525 : vector<16xi1>, vector<16xi32>
      %swap3A_554 = arith.index_cast %scan3A_123 : i32 to index
      %swap3A_555 = arith.constant 96 : index
      %swap3A_556 = tpu.vector_load %arg6[%swap3A_554, %swap3A_555] {strides = array<i32>} : memref<32x128xi32, #tpu.memory_space<vmem>>, vector<16xi32>,
      tpu.vector_store %arg6[%swap3A_554, %swap3A_555], %select_n3A_553 {strides = array<i32>} : memref<32x128xi32, #tpu.memory_space<vmem>>, vector<16xi32>,
      %jit3A_557 = arith.constant 4 : i32
      %eq3A_558 = arith.constant 0 : i32
      %eq3A_559 = arith.cmpi eq, %jit3A_557, %eq3A_558 : i32
      %jit3A_560 = arith.constant 1 : i32
      %select_n3A_561 = arith.select %eq3A_559, %jit3A_560, %jit3A_557 : i32
      %rem3A_562 = vector.broadcast %select_n3A_561 : i32 to vector<16xi32>
      %rem3A_563 = arith.remsi %add3A_522, %rem3A_562 : vector<16xi32>
      %ne3A_564 = arith.constant 0 : i32
      %ne3A_565 = vector.broadcast %ne3A_564 : i32 to vector<16xi32>
      %ne3A_566 = arith.cmpi ne, %rem3A_563, %ne3A_565 : vector<16xi32>
      %lt3A_567 = arith.constant 0 : i32
      %lt3A_568 = vector.broadcast %lt3A_567 : i32 to vector<16xi32>
      %lt3A_569 = arith.cmpi slt, %rem3A_563, %lt3A_568 : vector<16xi32>
      %lt3A_570 = arith.constant 0 : i32
      %lt3A_571 = arith.cmpi slt, %select_n3A_561, %lt3A_570 : i32
      %ne3A_572 = vector.broadcast %lt3A_571 : i1 to vector<16xi1>
      %ne3A_573 = vector.broadcast %ne3A_572 : vector<16xi1> to vector<16xi1>
      %ne3A_574 = arith.xori %lt3A_569, %ne3A_573 : vector<16xi1>
      %and3A_575 = arith.andi %ne3A_574, %ne3A_566 : vector<16xi1>
      %add3A_576 = vector.broadcast %select_n3A_561 : i32 to vector<16xi32>
      %add3A_577 = arith.addi %rem3A_563, %add3A_576 : vector<16xi32>
      %select_n3A_578 = arith.select %and3A_575, %add3A_577, %rem3A_563 : vector<16xi1>, vector<16xi32>
      %mul3A_579 = arith.constant 32 : i32
      %mul3A_580 = vector.broadcast %mul3A_579 : i32 to vector<16xi32>
      %mul3A_581 = arith.muli %select_n3A_578, %mul3A_580 : vector<16xi32>
      %swap3A_582 = arith.index_cast %scan3A_123 : i32 to index
      %swap3A_583 = arith.constant 96 : index
      %swap3A_584 = tpu.vector_load %arg7[%swap3A_582, %swap3A_583] {strides = array<i32>} : memref<32x128xi32, #tpu.memory_space<vmem>>, vector<16xi32>,
      tpu.vector_store %arg7[%swap3A_582, %swap3A_583], %mul3A_581 {strides = array<i32>} : memref<32x128xi32, #tpu.memory_space<vmem>>, vector<16xi32>,
      %get3A_585 = arith.index_cast %scan3A_123 : i32 to index
      %get3A_586 = arith.constant 112 : index
      %get3A_587 = tpu.vector_load %arg6[%get3A_585, %get3A_586] {strides = array<i32>} : memref<32x128xi32, #tpu.memory_space<vmem>>, vector<16xi32>,
      %add3A_588 = arith.addi %get3A_587, %get3A_31 : vector<16xi32>
      %jit3A_589 = arith.constant 4 : i32
      %div3A_590 = vector.broadcast %jit3A_589 : i32 to vector<16xi32>
      %div3A_591 = arith.divsi %add3A_588, %div3A_590 : vector<16xi32>
      %sign3A_592 = arith.constant 0 : i32
      %sign3A_593 = vector.broadcast %sign3A_592 : i32 to vector<16xi32>
      %sign3A_594 = arith.cmpi sgt, %add3A_588, %sign3A_593 : vector<16xi32>
      %sign3A_595 = arith.extui %sign3A_594 : vector<16xi1> to vector<16xi32>
      %sign3A_596 = arith.constant 0 : i32
      %sign3A_597 = vector.broadcast %sign3A_596 : i32 to vector<16xi32>
      %sign3A_598 = arith.cmpi slt, %add3A_588, %sign3A_597 : vector<16xi32>
      %sign3A_599 = arith.extui %sign3A_598 : vector<16xi1> to vector<16xi32>
      %sign3A_600 = arith.subi %sign3A_595, %sign3A_599 : vector<16xi32>
      %sign3A_601 = arith.constant 0 : i32
      %sign3A_602 = arith.cmpi sgt, %jit3A_589, %sign3A_601 : i32
      %sign3A_603 = arith.extui %sign3A_602 : i1 to i32
      %sign3A_604 = arith.constant 0 : i32
      %sign3A_605 = arith.cmpi slt, %jit3A_589, %sign3A_604 : i32
      %sign3A_606 = arith.extui %sign3A_605 : i1 to i32
      %sign3A_607 = arith.subi %sign3A_603, %sign3A_606 : i32
      %ne3A_608 = vector.broadcast %sign3A_607 : i32 to vector<16xi32>
      %ne3A_609 = arith.cmpi ne, %sign3A_600, %ne3A_608 : vector<16xi32>
      %rem3A_610 = vector.broadcast %jit3A_589 : i32 to vector<16xi32>
      %rem3A_611 = arith.remsi %add3A_588, %rem3A_610 : vector<16xi32>
      %ne3A_612 = arith.constant 0 : i32
      %ne3A_613 = vector.broadcast %ne3A_612 : i32 to vector<16xi32>
      %ne3A_614 = arith.cmpi ne, %rem3A_611, %ne3A_613 : vector<16xi32>
      %and3A_615 = arith.andi %ne3A_609, %ne3A_614 : vector<16xi1>
      %sub3A_616 = arith.constant 1 : i32
      %sub3A_617 = vector.broadcast %sub3A_616 : i32 to vector<16xi32>
      %sub3A_618 = arith.subi %div3A_591, %sub3A_617 : vector<16xi32>
      %select_n3A_619 = arith.select %and3A_615, %sub3A_618, %div3A_591 : vector<16xi1>, vector<16xi32>
      %swap3A_620 = arith.index_cast %scan3A_123 : i32 to index
      %swap3A_621 = arith.constant 112 : index
      %swap3A_622 = tpu.vector_load %arg6[%swap3A_620, %swap3A_621] {strides = array<i32>} : memref<32x128xi32, #tpu.memory_space<vmem>>, vector<16xi32>,
      tpu.vector_store %arg6[%swap3A_620, %swap3A_621], %select_n3A_619 {strides = array<i32>} : memref<32x128xi32, #tpu.memory_space<vmem>>, vector<16xi32>,
      %jit3A_623 = arith.constant 4 : i32
      %eq3A_624 = arith.constant 0 : i32
      %eq3A_625 = arith.cmpi eq, %jit3A_623, %eq3A_624 : i32
      %jit3A_626 = arith.constant 1 : i32
      %select_n3A_627 = arith.select %eq3A_625, %jit3A_626, %jit3A_623 : i32
      %rem3A_628 = vector.broadcast %select_n3A_627 : i32 to vector<16xi32>
      %rem3A_629 = arith.remsi %add3A_588, %rem3A_628 : vector<16xi32>
      %ne3A_630 = arith.constant 0 : i32
      %ne3A_631 = vector.broadcast %ne3A_630 : i32 to vector<16xi32>
      %ne3A_632 = arith.cmpi ne, %rem3A_629, %ne3A_631 : vector<16xi32>
      %lt3A_633 = arith.constant 0 : i32
      %lt3A_634 = vector.broadcast %lt3A_633 : i32 to vector<16xi32>
      %lt3A_635 = arith.cmpi slt, %rem3A_629, %lt3A_634 : vector<16xi32>
      %lt3A_636 = arith.constant 0 : i32
      %lt3A_637 = arith.cmpi slt, %select_n3A_627, %lt3A_636 : i32
      %ne3A_638 = vector.broadcast %lt3A_637 : i1 to vector<16xi1>
      %ne3A_639 = vector.broadcast %ne3A_638 : vector<16xi1> to vector<16xi1>
      %ne3A_640 = arith.xori %lt3A_635, %ne3A_639 : vector<16xi1>
      %and3A_641 = arith.andi %ne3A_640, %ne3A_632 : vector<16xi1>
      %add3A_642 = vector.broadcast %select_n3A_627 : i32 to vector<16xi32>
      %add3A_643 = arith.addi %rem3A_629, %add3A_642 : vector<16xi32>
      %select_n3A_644 = arith.select %and3A_641, %add3A_643, %rem3A_629 : vector<16xi1>, vector<16xi32>
      %mul3A_645 = arith.constant 32 : i32
      %mul3A_646 = vector.broadcast %mul3A_645 : i32 to vector<16xi32>
      %mul3A_647 = arith.muli %select_n3A_644, %mul3A_646 : vector<16xi32>
      %swap3A_648 = arith.index_cast %scan3A_123 : i32 to index
      %swap3A_649 = arith.constant 112 : index
      %swap3A_650 = tpu.vector_load %arg7[%swap3A_648, %swap3A_649] {strides = array<i32>} : memref<32x128xi32, #tpu.memory_space<vmem>>, vector<16xi32>,
      tpu.vector_store %arg7[%swap3A_648, %swap3A_649], %mul3A_647 {strides = array<i32>} : memref<32x128xi32, #tpu.memory_space<vmem>>, vector<16xi32>,
    }
    %scan3A_36 = arith.constant 32 : i32
    %iota3A = tpu.iota {dimensions = array<i32: 0>} : vector<16xi32>
    %dma_start3A = arith.constant 0 : i32
    %dma_start3A_37 = arith.constant 0 : i32
    %dma_start3A_38 = arith.constant 0 : i32
    %dma_start3A_39 = arith.constant 0 : i32
    %dma_start3A_40 = tpu.memref_slice %arg8[%dma_start3A_37, %dma_start3A_38, %dma_start3A_39] : memref<6x128x128xf32, #tpu.memory_space<vmem>> -> memref<1x128x128xf32, #tpu.memory_space<vmem>>
    %dma_start3A_41 = tpu.memref_squeeze %dma_start3A_40 : memref<1x128x128xf32, #tpu.memory_space<vmem>> -> memref<128x128xf32, #tpu.memory_space<vmem>>
    %dma_start3A_42 = arith.constant 0 : i32
    %dma_start3A_43 = tpu.memref_slice %arg6[%dma_start3A, %dma_start3A_42] : memref<32x128xi32, #tpu.memory_space<vmem>> -> memref<1x128xi32, #tpu.memory_space<vmem>>
    %dma_start3A_44 = tpu.memref_squeeze %dma_start3A_43 : memref<1x128xi32, #tpu.memory_space<vmem>> -> memref<128xi32, #tpu.memory_space<vmem>>
    %dma_start3A_45 = arith.constant 0 : i32
    %dma_start3A_46 = arith.constant 0 : i32
    %dma_start3A_47 = tpu.memref_slice %arg4[%dma_start3A_45, %dma_start3A_46] : memref<200133x128xf32, #tpu.memory_space<hbm>> -> memref<200133x128xf32, #tpu.memory_space<hbm>>
    tpu.enqueue_indirect_dma source(%dma_start3A_47 : memref<200133x128xf32, #tpu.memory_space<hbm>>) target(%dma_start3A_41 : memref<128x128xf32, #tpu.memory_space<vmem>>) offsets(%dma_start3A_44 : memref<128xi32, #tpu.memory_space<vmem>>) semaphore(%arg11 : memref<!tpu.dma_semaphore, #tpu.memory_space<semaphore_mem>>)
    %dma_start3A_48 = arith.constant 1 : i32
    %dma_start3A_49 = arith.constant 1 : i32
    %dma_start3A_50 = arith.constant 0 : i32
    %dma_start3A_51 = arith.constant 0 : i32
    %dma_start3A_52 = tpu.memref_slice %arg8[%dma_start3A_49, %dma_start3A_50, %dma_start3A_51] : memref<6x128x128xf32, #tpu.memory_space<vmem>> -> memref<1x128x128xf32, #tpu.memory_space<vmem>>
    %dma_start3A_53 = tpu.memref_squeeze %dma_start3A_52 : memref<1x128x128xf32, #tpu.memory_space<vmem>> -> memref<128x128xf32, #tpu.memory_space<vmem>>
    %dma_start3A_54 = arith.constant 0 : i32
    %dma_start3A_55 = tpu.memref_slice %arg6[%dma_start3A_48, %dma_start3A_54] : memref<32x128xi32, #tpu.memory_space<vmem>> -> memref<1x128xi32, #tpu.memory_space<vmem>>
    %dma_start3A_56 = tpu.memref_squeeze %dma_start3A_55 : memref<1x128xi32, #tpu.memory_space<vmem>> -> memref<128xi32, #tpu.memory_space<vmem>>
    %dma_start3A_57 = arith.constant 0 : i32
    %dma_start3A_58 = arith.constant 0 : i32
    %dma_start3A_59 = tpu.memref_slice %arg4[%dma_start3A_57, %dma_start3A_58] : memref<200133x128xf32, #tpu.memory_space<hbm>> -> memref<200133x128xf32, #tpu.memory_space<hbm>>
    tpu.enqueue_indirect_dma source(%dma_start3A_59 : memref<200133x128xf32, #tpu.memory_space<hbm>>) target(%dma_start3A_53 : memref<128x128xf32, #tpu.memory_space<vmem>>) offsets(%dma_start3A_56 : memref<128xi32, #tpu.memory_space<vmem>>) semaphore(%arg11 : memref<!tpu.dma_semaphore, #tpu.memory_space<semaphore_mem>>)
    %dma_start3A_60 = arith.constant 2 : i32
    %dma_start3A_61 = arith.constant 2 : i32
    %dma_start3A_62 = arith.constant 0 : i32
    %dma_start3A_63 = arith.constant 0 : i32
    %dma_start3A_64 = tpu.memref_slice %arg8[%dma_start3A_61, %dma_start3A_62, %dma_start3A_63] : memref<6x128x128xf32, #tpu.memory_space<vmem>> -> memref<1x128x128xf32, #tpu.memory_space<vmem>>
    %dma_start3A_65 = tpu.memref_squeeze %dma_start3A_64 : memref<1x128x128xf32, #tpu.memory_space<vmem>> -> memref<128x128xf32, #tpu.memory_space<vmem>>
    %dma_start3A_66 = arith.constant 0 : i32
    %dma_start3A_67 = tpu.memref_slice %arg6[%dma_start3A_60, %dma_start3A_66] : memref<32x128xi32, #tpu.memory_space<vmem>> -> memref<1x128xi32, #tpu.memory_space<vmem>>
    %dma_start3A_68 = tpu.memref_squeeze %dma_start3A_67 : memref<1x128xi32, #tpu.memory_space<vmem>> -> memref<128xi32, #tpu.memory_space<vmem>>
    %dma_start3A_69 = arith.constant 0 : i32
    %dma_start3A_70 = arith.constant 0 : i32
    %dma_start3A_71 = tpu.memref_slice %arg4[%dma_start3A_69, %dma_start3A_70] : memref<200133x128xf32, #tpu.memory_space<hbm>> -> memref<200133x128xf32, #tpu.memory_space<hbm>>
    tpu.enqueue_indirect_dma source(%dma_start3A_71 : memref<200133x128xf32, #tpu.memory_space<hbm>>) target(%dma_start3A_65 : memref<128x128xf32, #tpu.memory_space<vmem>>) offsets(%dma_start3A_68 : memref<128xi32, #tpu.memory_space<vmem>>) semaphore(%arg11 : memref<!tpu.dma_semaphore, #tpu.memory_space<semaphore_mem>>)
    %dma_start3A_72 = arith.constant 3 : i32
    %dma_start3A_73 = arith.constant 3 : i32
    %dma_start3A_74 = arith.constant 0 : i32
    %dma_start3A_75 = arith.constant 0 : i32
    %dma_start3A_76 = tpu.memref_slice %arg8[%dma_start3A_73, %dma_start3A_74, %dma_start3A_75] : memref<6x128x128xf32, #tpu.memory_space<vmem>> -> memref<1x128x128xf32, #tpu.memory_space<vmem>>
    %dma_start3A_77 = tpu.memref_squeeze %dma_start3A_76 : memref<1x128x128xf32, #tpu.memory_space<vmem>> -> memref<128x128xf32, #tpu.memory_space<vmem>>
    %dma_start3A_78 = arith.constant 0 : i32
    %dma_start3A_79 = tpu.memref_slice %arg6[%dma_start3A_72, %dma_start3A_78] : memref<32x128xi32, #tpu.memory_space<vmem>> -> memref<1x128xi32, #tpu.memory_space<vmem>>
    %dma_start3A_80 = tpu.memref_squeeze %dma_start3A_79 : memref<1x128xi32, #tpu.memory_space<vmem>> -> memref<128xi32, #tpu.memory_space<vmem>>
    %dma_start3A_81 = arith.constant 0 : i32
    %dma_start3A_82 = arith.constant 0 : i32
    %dma_start3A_83 = tpu.memref_slice %arg4[%dma_start3A_81, %dma_start3A_82] : memref<200133x128xf32, #tpu.memory_space<hbm>> -> memref<200133x128xf32, #tpu.memory_space<hbm>>
    tpu.enqueue_indirect_dma source(%dma_start3A_83 : memref<200133x128xf32, #tpu.memory_space<hbm>>) target(%dma_start3A_77 : memref<128x128xf32, #tpu.memory_space<vmem>>) offsets(%dma_start3A_80 : memref<128xi32, #tpu.memory_space<vmem>>) semaphore(%arg11 : memref<!tpu.dma_semaphore, #tpu.memory_space<semaphore_mem>>)
    %scan3A_84 = arith.constant 0 : i32
    %scan3A_85 = arith.constant 0 : i32
    %scan3A_86 = arith.constant 32 : i32
    %scan3A_87 = arith.addi %scan3A_85, %scan3A_86 : i32
    %scan3A_88 = arith.constant 1 : i32
    scf.for %scan3A_123 = %scan3A_85 to %scan3A_87 step %scan3A_88  : i32 {
      %add3A_124 = arith.constant 4 : i32
      %add3A_125 = arith.addi %scan3A_123, %add3A_124 : i32
      %lt3A_126 = arith.constant 32 : i32
      %lt3A_127 = arith.cmpi slt, %add3A_125, %lt3A_126 : i32
      %convert_element_type3A = arith.extui %lt3A_127 : i1 to i32
      %cond3A = arith.constant 0 : i32
      %cond3A_128 = arith.cmpi ne, %convert_element_type3A, %cond3A : i32
      scf.if %cond3A_128 {
        %add3A_198 = arith.constant 4 : i32
        %add3A_199 = arith.addi %scan3A_123, %add3A_198 : i32
        %jit3A_200 = arith.constant 6 : i32
        %eq3A_201 = arith.constant 0 : i32
        %eq3A_202 = arith.cmpi eq, %jit3A_200, %eq3A_201 : i32
        %jit3A_203 = arith.constant 1 : i32
        %select_n3A_204 = arith.select %eq3A_202, %jit3A_203, %jit3A_200 : i32
        %rem3A_205 = arith.remsi %add3A_199, %select_n3A_204 : i32
        %ne3A_206 = arith.constant 0 : i32
        %ne3A_207 = arith.cmpi ne, %rem3A_205, %ne3A_206 : i32
        %lt3A_208 = arith.constant 0 : i32
        %lt3A_209 = arith.cmpi slt, %rem3A_205, %lt3A_208 : i32
        %lt3A_210 = arith.constant 0 : i32
        %lt3A_211 = arith.cmpi slt, %select_n3A_204, %lt3A_210 : i32
        %ne3A_212 = arith.xori %lt3A_209, %lt3A_211 : i1
        %and3A_213 = arith.andi %ne3A_212, %ne3A_207 : i1
        %add3A_214 = arith.addi %rem3A_205, %select_n3A_204 : i32
        %select_n3A_215 = arith.select %and3A_213, %add3A_214, %rem3A_205 : i32
        %dma_start3A_216 = arith.constant 0 : i32
        %dma_start3A_217 = arith.constant 0 : i32
        %dma_start3A_218 = tpu.memref_slice %arg8[%select_n3A_215, %dma_start3A_216, %dma_start3A_217] : memref<6x128x128xf32, #tpu.memory_space<vmem>> -> memref<1x128x128xf32, #tpu.memory_space<vmem>>
        %dma_start3A_219 = tpu.memref_squeeze %dma_start3A_218 : memref<1x128x128xf32, #tpu.memory_space<vmem>> -> memref<128x128xf32, #tpu.memory_space<vmem>>
        %dma_start3A_220 = arith.constant 0 : i32
        %dma_start3A_221 = tpu.memref_slice %arg6[%add3A_199, %dma_start3A_220] : memref<32x128xi32, #tpu.memory_space<vmem>> -> memref<1x128xi32, #tpu.memory_space<vmem>>
        %dma_start3A_222 = tpu.memref_squeeze %dma_start3A_221 : memref<1x128xi32, #tpu.memory_space<vmem>> -> memref<128xi32, #tpu.memory_space<vmem>>
        %dma_start3A_223 = arith.constant 0 : i32
        %dma_start3A_224 = arith.constant 0 : i32
        %dma_start3A_225 = tpu.memref_slice %arg4[%dma_start3A_223, %dma_start3A_224] : memref<200133x128xf32, #tpu.memory_space<hbm>> -> memref<200133x128xf32, #tpu.memory_space<hbm>>
        tpu.enqueue_indirect_dma source(%dma_start3A_225 : memref<200133x128xf32, #tpu.memory_space<hbm>>) target(%dma_start3A_219 : memref<128x128xf32, #tpu.memory_space<vmem>>) offsets(%dma_start3A_222 : memref<128xi32, #tpu.memory_space<vmem>>) semaphore(%arg11 : memref<!tpu.dma_semaphore, #tpu.memory_space<semaphore_mem>>)
      } else {
      }
      %jit3A_129 = arith.constant 6 : i32
      %eq3A_130 = arith.constant 0 : i32
      %eq3A_131 = arith.cmpi eq, %jit3A_129, %eq3A_130 : i32
      %jit3A_132 = arith.constant 1 : i32
      %select_n3A_133 = arith.select %eq3A_131, %jit3A_132, %jit3A_129 : i32
      %rem3A_134 = arith.remsi %scan3A_123, %select_n3A_133 : i32
      %ne3A_135 = arith.constant 0 : i32
      %ne3A_136 = arith.cmpi ne, %rem3A_134, %ne3A_135 : i32
      %lt3A_137 = arith.constant 0 : i32
      %lt3A_138 = arith.cmpi slt, %rem3A_134, %lt3A_137 : i32
      %lt3A_139 = arith.constant 0 : i32
      %lt3A_140 = arith.cmpi slt, %select_n3A_133, %lt3A_139 : i32
      %ne3A_141 = arith.xori %lt3A_138, %lt3A_140 : i1
      %and3A_142 = arith.andi %ne3A_141, %ne3A_136 : i1
      %add3A_143 = arith.addi %rem3A_134, %select_n3A_133 : i32
      %select_n3A_144 = arith.select %and3A_142, %add3A_143, %rem3A_134 : i32
      %dma_wait3A_145 = arith.constant 0 : i32
      %dma_wait3A_146 = arith.constant 0 : i32
      %dma_wait3A_147 = arith.constant 0 : i32
      %dma_wait3A_148 = tpu.memref_slice %arg8[%select_n3A_144, %dma_wait3A_146, %dma_wait3A_147] : memref<6x128x128xf32, #tpu.memory_space<vmem>> -> memref<1x128x128xf32, #tpu.memory_space<vmem>>
      %dma_wait3A_149 = tpu.memref_squeeze %dma_wait3A_148 : memref<1x128x128xf32, #tpu.memory_space<vmem>> -> memref<128x128xf32, #tpu.memory_space<vmem>>
      %dma_wait3A_150 = arith.constant 0 : i32
      %dma_wait3A_151 = tpu.memref_slice %arg6[%dma_wait3A_145, %dma_wait3A_150] : memref<32x128xi32, #tpu.memory_space<vmem>> -> memref<1x128xi32, #tpu.memory_space<vmem>>
      %dma_wait3A_152 = tpu.memref_squeeze %dma_wait3A_151 : memref<1x128xi32, #tpu.memory_space<vmem>> -> memref<128xi32, #tpu.memory_space<vmem>>
      %dma_wait3A_153 = arith.constant 0 : i32
      %dma_wait3A_154 = arith.constant 0 : i32
      %dma_wait3A_155 = tpu.memref_slice %arg4[%dma_wait3A_153, %dma_wait3A_154] : memref<200133x128xf32, #tpu.memory_space<hbm>> -> memref<200133x128xf32, #tpu.memory_space<hbm>>
      tpu.wait_indirect_dma semaphore(%arg11 : memref<!tpu.dma_semaphore, #tpu.memory_space<semaphore_mem>>) src(%dma_wait3A_155 : memref<200133x128xf32, #tpu.memory_space<hbm>>) dst(%dma_wait3A_149 : memref<128x128xf32, #tpu.memory_space<vmem>>)
      %jit3A_156 = arith.constant 2 : i32
      %eq3A_157 = arith.constant 0 : i32
      %eq3A_158 = arith.cmpi eq, %jit3A_156, %eq3A_157 : i32
      %jit3A_159 = arith.constant 1 : i32
      %select_n3A_160 = arith.select %eq3A_158, %jit3A_159, %jit3A_156 : i32
      %rem3A_161 = arith.remsi %scan3A_123, %select_n3A_160 : i32
      %ne3A_162 = arith.constant 0 : i32
      %ne3A_163 = arith.cmpi ne, %rem3A_161, %ne3A_162 : i32
      %lt3A_164 = arith.constant 0 : i32
      %lt3A_165 = arith.cmpi slt, %rem3A_161, %lt3A_164 : i32
      %lt3A_166 = arith.constant 0 : i32
      %lt3A_167 = arith.cmpi slt, %select_n3A_160, %lt3A_166 : i32
      %ne3A_168 = arith.xori %lt3A_165, %lt3A_167 : i1
      %and3A_169 = arith.andi %ne3A_168, %ne3A_163 : i1
      %add3A_170 = arith.addi %rem3A_161, %select_n3A_160 : i32
      %select_n3A_171 = arith.select %and3A_169, %add3A_170, %rem3A_161 : i32
      %ge3A = arith.constant 2 : i32
      %ge3A_172 = arith.cmpi sge, %scan3A_123, %ge3A : i32
      %convert_element_type3A_173 = arith.extui %ge3A_172 : i1 to i32
      %cond3A_174 = arith.constant 0 : i32
      %cond3A_175 = arith.cmpi ne, %convert_element_type3A_173, %cond3A_174 : i32
      scf.if %cond3A_175 {
        %dma_wait3A_198 = arith.constant 0 : i32
        %dma_wait3A_199 = arith.constant 0 : i32
        %dma_wait3A_200 = tpu.memref_slice %arg9[%select_n3A_171, %dma_wait3A_198, %dma_wait3A_199] : memref<2x32x128xf32, #tpu.memory_space<vmem>> -> memref<1x32x128xf32, #tpu.memory_space<vmem>>
        %dma_wait3A_201 = tpu.memref_squeeze %dma_wait3A_200 : memref<1x32x128xf32, #tpu.memory_space<vmem>> -> memref<32x128xf32, #tpu.memory_space<vmem>>
        %dma_wait3A_202 = arith.constant 0 : i32
        %dma_wait3A_203 = arith.constant 0 : i32
        %dma_wait3A_204 = tpu.memref_slice %arg5[%select_n3A, %select_n3A_30, %dma_wait3A_202, %dma_wait3A_203] : memref<4x8x32x4096xf32, #tpu.memory_space<hbm>> -> memref<1x1x32x128xf32, #tpu.memory_space<hbm>>
        %dma_wait3A_205 = tpu.memref_squeeze %dma_wait3A_204 : memref<1x1x32x128xf32, #tpu.memory_space<hbm>> -> memref<32x128xf32, #tpu.memory_space<hbm>>
        %dma_wait3A_206 = arith.constant 0 : i32
        %dma_wait3A_207 = arith.constant 0 : i32
        %dma_wait3A_208 = tpu.memref_slice %arg5[%select_n3A, %select_n3A_30, %dma_wait3A_206, %dma_wait3A_207] : memref<4x8x32x4096xf32, #tpu.memory_space<hbm>> -> memref<1x1x32x128xf32, #tpu.memory_space<hbm>>
        %dma_wait3A_209 = tpu.memref_squeeze %dma_wait3A_208 : memref<1x1x32x128xf32, #tpu.memory_space<hbm>> -> memref<32x128xf32, #tpu.memory_space<hbm>>
        %dma_wait3A_210 = arith.constant 0 : i32
        %dma_wait3A_211 = arith.constant 0 : i32
        %dma_wait3A_212 = tpu.memref_slice %arg9[%select_n3A_171, %dma_wait3A_210, %dma_wait3A_211] : memref<2x32x128xf32, #tpu.memory_space<vmem>> -> memref<1x32x128xf32, #tpu.memory_space<vmem>>
        %dma_wait3A_213 = tpu.memref_squeeze %dma_wait3A_212 : memref<1x32x128xf32, #tpu.memory_space<vmem>> -> memref<32x128xf32, #tpu.memory_space<vmem>>
        tpu.wait_dma2 semaphore(%arg12 : memref<!tpu.dma_semaphore, #tpu.memory_space<semaphore_mem>>) src(%dma_wait3A_213 : memref<32x128xf32, #tpu.memory_space<vmem>>) dst(%dma_wait3A_209 : memref<32x128xf32, #tpu.memory_space<hbm>>)
      } else {
      }
      %scan3A_176 = arith.constant 0 : i32
      %scan3A_177 = arith.constant 0 : i32
      %scan3A_178 = arith.constant 8 : i32
      %scan3A_179 = arith.addi %scan3A_177, %scan3A_178 : i32
      %scan3A_180 = arith.constant 1 : i32
      scf.for %scan3A_198 = %scan3A_177 to %scan3A_179 step %scan3A_180  : i32 {
        %mul3A_199 = arith.constant 16 : i32
        %mul3A_200 = arith.muli %scan3A_198, %mul3A_199 : i32
        %add3A_201 = vector.broadcast %mul3A_200 : i32 to vector<16xi32>
        %add3A_202 = arith.addi %iota3A, %add3A_201 : vector<16xi32>
        %mul3A_203 = arith.constant 16 : i32
        %mul3A_204 = arith.muli %scan3A_198, %mul3A_203 : i32
        %get3A_205 = arith.index_cast %scan3A_123 : i32 to index
        %get3A_206 = arith.index_cast %mul3A_204 : i32 to index
        %get3A_207 = tpu.vector_load %arg7[%get3A_205, %get3A_206] {strides = array<i32>} : memref<32x128xi32, #tpu.memory_space<vmem>>, vector<16xi32>,
        %add3A_208 = arith.constant 0 : i32
        %add3A_209 = vector.broadcast %add3A_208 : i32 to vector<16xi32>
        %add3A_210 = arith.addi %get3A_207, %add3A_209 : vector<16xi32>
        %gather3A = arith.constant 0 : i32
        %gather3A_211 = arith.constant 0 : i32
        %gather3A_212 = tpu.memref_slice %arg8[%select_n3A_144, %gather3A, %gather3A_211] : memref<6x128x128xf32, #tpu.memory_space<vmem>> -> memref<1x128x128xf32, #tpu.memory_space<vmem>>
        %gather3A_213 = tpu.memref_squeeze %gather3A_212 : memref<1x128x128xf32, #tpu.memory_space<vmem>> -> memref<128x128xf32, #tpu.memory_space<vmem>>
        %gather3A_214 = tpu.vector_load_idx %gather3A_213[%add3A_202, %add3A_210] : memref<128x128xf32, #tpu.memory_space<vmem>>[vector<16xi32>, vector<16xi32>], vector<16xf32>,
        %mul3A_215 = arith.constant 16 : i32
        %mul3A_216 = arith.muli %scan3A_198, %mul3A_215 : i32
        %swap3A = arith.constant 0 : i32
        %swap3A_217 = arith.constant 0 : i32
        %swap3A_218 = arith.constant 0 : i32
        %swap3A_219 = tpu.memref_slice %arg9[%select_n3A_171, %swap3A_217, %swap3A_218] : memref<2x32x128xf32, #tpu.memory_space<vmem>> -> memref<1x32x128xf32, #tpu.memory_space<vmem>>
        %swap3A_220 = tpu.memref_squeeze %swap3A_219 : memref<1x32x128xf32, #tpu.memory_space<vmem>> -> memref<32x128xf32, #tpu.memory_space<vmem>>
        %swap3A_221 = arith.index_cast %swap3A : i32 to index
        %swap3A_222 = arith.index_cast %mul3A_216 : i32 to index
        %swap3A_223 = tpu.vector_load %swap3A_220[%swap3A_221, %swap3A_222] {strides = array<i32>} : memref<32x128xf32, #tpu.memory_space<vmem>>, vector<16xf32>,
        tpu.vector_store %swap3A_220[%swap3A_221, %swap3A_222], %gather3A_214 {strides = array<i32>} : memref<32x128xf32, #tpu.memory_space<vmem>>, vector<16xf32>,
        %add3A_224 = arith.constant 1 : i32
        %add3A_225 = vector.broadcast %add3A_224 : i32 to vector<16xi32>
        %add3A_226 = arith.addi %get3A_207, %add3A_225 : vector<16xi32>
        %gather3A_227 = arith.constant 0 : i32
        %gather3A_228 = arith.constant 0 : i32
        %gather3A_229 = tpu.memref_slice %arg8[%select_n3A_144, %gather3A_227, %gather3A_228] : memref<6x128x128xf32, #tpu.memory_space<vmem>> -> memref<1x128x128xf32, #tpu.memory_space<vmem>>
        %gather3A_230 = tpu.memref_squeeze %gather3A_229 : memref<1x128x128xf32, #tpu.memory_space<vmem>> -> memref<128x128xf32, #tpu.memory_space<vmem>>
        %gather3A_231 = tpu.vector_load_idx %gather3A_230[%add3A_202, %add3A_226] : memref<128x128xf32, #tpu.memory_space<vmem>>[vector<16xi32>, vector<16xi32>], vector<16xf32>,
        %mul3A_232 = arith.constant 16 : i32
        %mul3A_233 = arith.muli %scan3A_198, %mul3A_232 : i32
        %swap3A_234 = arith.constant 1 : i32
        %swap3A_235 = arith.constant 0 : i32
        %swap3A_236 = arith.constant 0 : i32
        %swap3A_237 = tpu.memref_slice %arg9[%select_n3A_171, %swap3A_235, %swap3A_236] : memref<2x32x128xf32, #tpu.memory_space<vmem>> -> memref<1x32x128xf32, #tpu.memory_space<vmem>>
        %swap3A_238 = tpu.memref_squeeze %swap3A_237 : memref<1x32x128xf32, #tpu.memory_space<vmem>> -> memref<32x128xf32, #tpu.memory_space<vmem>>
        %swap3A_239 = arith.index_cast %swap3A_234 : i32 to index
        %swap3A_240 = arith.index_cast %mul3A_233 : i32 to index
        %swap3A_241 = tpu.vector_load %swap3A_238[%swap3A_239, %swap3A_240] {strides = array<i32>} : memref<32x128xf32, #tpu.memory_space<vmem>>, vector<16xf32>,
        tpu.vector_store %swap3A_238[%swap3A_239, %swap3A_240], %gather3A_231 {strides = array<i32>} : memref<32x128xf32, #tpu.memory_space<vmem>>, vector<16xf32>,
        %add3A_242 = arith.constant 2 : i32
        %add3A_243 = vector.broadcast %add3A_242 : i32 to vector<16xi32>
        %add3A_244 = arith.addi %get3A_207, %add3A_243 : vector<16xi32>
        %gather3A_245 = arith.constant 0 : i32
        %gather3A_246 = arith.constant 0 : i32
        %gather3A_247 = tpu.memref_slice %arg8[%select_n3A_144, %gather3A_245, %gather3A_246] : memref<6x128x128xf32, #tpu.memory_space<vmem>> -> memref<1x128x128xf32, #tpu.memory_space<vmem>>
        %gather3A_248 = tpu.memref_squeeze %gather3A_247 : memref<1x128x128xf32, #tpu.memory_space<vmem>> -> memref<128x128xf32, #tpu.memory_space<vmem>>
        %gather3A_249 = tpu.vector_load_idx %gather3A_248[%add3A_202, %add3A_244] : memref<128x128xf32, #tpu.memory_space<vmem>>[vector<16xi32>, vector<16xi32>], vector<16xf32>,
        %mul3A_250 = arith.constant 16 : i32
        %mul3A_251 = arith.muli %scan3A_198, %mul3A_250 : i32
        %swap3A_252 = arith.constant 2 : i32
        %swap3A_253 = arith.constant 0 : i32
        %swap3A_254 = arith.constant 0 : i32
        %swap3A_255 = tpu.memref_slice %arg9[%select_n3A_171, %swap3A_253, %swap3A_254] : memref<2x32x128xf32, #tpu.memory_space<vmem>> -> memref<1x32x128xf32, #tpu.memory_space<vmem>>
        %swap3A_256 = tpu.memref_squeeze %swap3A_255 : memref<1x32x128xf32, #tpu.memory_space<vmem>> -> memref<32x128xf32, #tpu.memory_space<vmem>>
        %swap3A_257 = arith.index_cast %swap3A_252 : i32 to index
        %swap3A_258 = arith.index_cast %mul3A_251 : i32 to index
        %swap3A_259 = tpu.vector_load %swap3A_256[%swap3A_257, %swap3A_258] {strides = array<i32>} : memref<32x128xf32, #tpu.memory_space<vmem>>, vector<16xf32>,
        tpu.vector_store %swap3A_256[%swap3A_257, %swap3A_258], %gather3A_249 {strides = array<i32>} : memref<32x128xf32, #tpu.memory_space<vmem>>, vector<16xf32>,
        %add3A_260 = arith.constant 3 : i32
        %add3A_261 = vector.broadcast %add3A_260 : i32 to vector<16xi32>
        %add3A_262 = arith.addi %get3A_207, %add3A_261 : vector<16xi32>
        %gather3A_263 = arith.constant 0 : i32
        %gather3A_264 = arith.constant 0 : i32
        %gather3A_265 = tpu.memref_slice %arg8[%select_n3A_144, %gather3A_263, %gather3A_264] : memref<6x128x128xf32, #tpu.memory_space<vmem>> -> memref<1x128x128xf32, #tpu.memory_space<vmem>>
        %gather3A_266 = tpu.memref_squeeze %gather3A_265 : memref<1x128x128xf32, #tpu.memory_space<vmem>> -> memref<128x128xf32, #tpu.memory_space<vmem>>
        %gather3A_267 = tpu.vector_load_idx %gather3A_266[%add3A_202, %add3A_262] : memref<128x128xf32, #tpu.memory_space<vmem>>[vector<16xi32>, vector<16xi32>], vector<16xf32>,
        %mul3A_268 = arith.constant 16 : i32
        %mul3A_269 = arith.muli %scan3A_198, %mul3A_268 : i32
        %swap3A_270 = arith.constant 3 : i32
        %swap3A_271 = arith.constant 0 : i32
        %swap3A_272 = arith.constant 0 : i32
        %swap3A_273 = tpu.memref_slice %arg9[%select_n3A_171, %swap3A_271, %swap3A_272] : memref<2x32x128xf32, #tpu.memory_space<vmem>> -> memref<1x32x128xf32, #tpu.memory_space<vmem>>
        %swap3A_274 = tpu.memref_squeeze %swap3A_273 : memref<1x32x128xf32, #tpu.memory_space<vmem>> -> memref<32x128xf32, #tpu.memory_space<vmem>>
        %swap3A_275 = arith.index_cast %swap3A_270 : i32 to index
        %swap3A_276 = arith.index_cast %mul3A_269 : i32 to index
        %swap3A_277 = tpu.vector_load %swap3A_274[%swap3A_275, %swap3A_276] {strides = array<i32>} : memref<32x128xf32, #tpu.memory_space<vmem>>, vector<16xf32>,
        tpu.vector_store %swap3A_274[%swap3A_275, %swap3A_276], %gather3A_267 {strides = array<i32>} : memref<32x128xf32, #tpu.memory_space<vmem>>, vector<16xf32>,
        %add3A_278 = arith.constant 4 : i32
        %add3A_279 = vector.broadcast %add3A_278 : i32 to vector<16xi32>
        %add3A_280 = arith.addi %get3A_207, %add3A_279 : vector<16xi32>
        %gather3A_281 = arith.constant 0 : i32
        %gather3A_282 = arith.constant 0 : i32
        %gather3A_283 = tpu.memref_slice %arg8[%select_n3A_144, %gather3A_281, %gather3A_282] : memref<6x128x128xf32, #tpu.memory_space<vmem>> -> memref<1x128x128xf32, #tpu.memory_space<vmem>>
        %gather3A_284 = tpu.memref_squeeze %gather3A_283 : memref<1x128x128xf32, #tpu.memory_space<vmem>> -> memref<128x128xf32, #tpu.memory_space<vmem>>
        %gather3A_285 = tpu.vector_load_idx %gather3A_284[%add3A_202, %add3A_280] : memref<128x128xf32, #tpu.memory_space<vmem>>[vector<16xi32>, vector<16xi32>], vector<16xf32>,
        %mul3A_286 = arith.constant 16 : i32
        %mul3A_287 = arith.muli %scan3A_198, %mul3A_286 : i32
        %swap3A_288 = arith.constant 4 : i32
        %swap3A_289 = arith.constant 0 : i32
        %swap3A_290 = arith.constant 0 : i32
        %swap3A_291 = tpu.memref_slice %arg9[%select_n3A_171, %swap3A_289, %swap3A_290] : memref<2x32x128xf32, #tpu.memory_space<vmem>> -> memref<1x32x128xf32, #tpu.memory_space<vmem>>
        %swap3A_292 = tpu.memref_squeeze %swap3A_291 : memref<1x32x128xf32, #tpu.memory_space<vmem>> -> memref<32x128xf32, #tpu.memory_space<vmem>>
        %swap3A_293 = arith.index_cast %swap3A_288 : i32 to index
        %swap3A_294 = arith.index_cast %mul3A_287 : i32 to index
        %swap3A_295 = tpu.vector_load %swap3A_292[%swap3A_293, %swap3A_294] {strides = array<i32>} : memref<32x128xf32, #tpu.memory_space<vmem>>, vector<16xf32>,
        tpu.vector_store %swap3A_292[%swap3A_293, %swap3A_294], %gather3A_285 {strides = array<i32>} : memref<32x128xf32, #tpu.memory_space<vmem>>, vector<16xf32>,
        %add3A_296 = arith.constant 5 : i32
        %add3A_297 = vector.broadcast %add3A_296 : i32 to vector<16xi32>
        %add3A_298 = arith.addi %get3A_207, %add3A_297 : vector<16xi32>
        %gather3A_299 = arith.constant 0 : i32
        %gather3A_300 = arith.constant 0 : i32
        %gather3A_301 = tpu.memref_slice %arg8[%select_n3A_144, %gather3A_299, %gather3A_300] : memref<6x128x128xf32, #tpu.memory_space<vmem>> -> memref<1x128x128xf32, #tpu.memory_space<vmem>>
        %gather3A_302 = tpu.memref_squeeze %gather3A_301 : memref<1x128x128xf32, #tpu.memory_space<vmem>> -> memref<128x128xf32, #tpu.memory_space<vmem>>
        %gather3A_303 = tpu.vector_load_idx %gather3A_302[%add3A_202, %add3A_298] : memref<128x128xf32, #tpu.memory_space<vmem>>[vector<16xi32>, vector<16xi32>], vector<16xf32>,
        %mul3A_304 = arith.constant 16 : i32
        %mul3A_305 = arith.muli %scan3A_198, %mul3A_304 : i32
        %swap3A_306 = arith.constant 5 : i32
        %swap3A_307 = arith.constant 0 : i32
        %swap3A_308 = arith.constant 0 : i32
        %swap3A_309 = tpu.memref_slice %arg9[%select_n3A_171, %swap3A_307, %swap3A_308] : memref<2x32x128xf32, #tpu.memory_space<vmem>> -> memref<1x32x128xf32, #tpu.memory_space<vmem>>
        %swap3A_310 = tpu.memref_squeeze %swap3A_309 : memref<1x32x128xf32, #tpu.memory_space<vmem>> -> memref<32x128xf32, #tpu.memory_space<vmem>>
        %swap3A_311 = arith.index_cast %swap3A_306 : i32 to index
        %swap3A_312 = arith.index_cast %mul3A_305 : i32 to index
        %swap3A_313 = tpu.vector_load %swap3A_310[%swap3A_311, %swap3A_312] {strides = array<i32>} : memref<32x128xf32, #tpu.memory_space<vmem>>, vector<16xf32>,
        tpu.vector_store %swap3A_310[%swap3A_311, %swap3A_312], %gather3A_303 {strides = array<i32>} : memref<32x128xf32, #tpu.memory_space<vmem>>, vector<16xf32>,
        %add3A_314 = arith.constant 6 : i32
        %add3A_315 = vector.broadcast %add3A_314 : i32 to vector<16xi32>
        %add3A_316 = arith.addi %get3A_207, %add3A_315 : vector<16xi32>
        %gather3A_317 = arith.constant 0 : i32
        %gather3A_318 = arith.constant 0 : i32
        %gather3A_319 = tpu.memref_slice %arg8[%select_n3A_144, %gather3A_317, %gather3A_318] : memref<6x128x128xf32, #tpu.memory_space<vmem>> -> memref<1x128x128xf32, #tpu.memory_space<vmem>>
        %gather3A_320 = tpu.memref_squeeze %gather3A_319 : memref<1x128x128xf32, #tpu.memory_space<vmem>> -> memref<128x128xf32, #tpu.memory_space<vmem>>
        %gather3A_321 = tpu.vector_load_idx %gather3A_320[%add3A_202, %add3A_316] : memref<128x128xf32, #tpu.memory_space<vmem>>[vector<16xi32>, vector<16xi32>], vector<16xf32>,
        %mul3A_322 = arith.constant 16 : i32
        %mul3A_323 = arith.muli %scan3A_198, %mul3A_322 : i32
        %swap3A_324 = arith.constant 6 : i32
        %swap3A_325 = arith.constant 0 : i32
        %swap3A_326 = arith.constant 0 : i32
        %swap3A_327 = tpu.memref_slice %arg9[%select_n3A_171, %swap3A_325, %swap3A_326] : memref<2x32x128xf32, #tpu.memory_space<vmem>> -> memref<1x32x128xf32, #tpu.memory_space<vmem>>
        %swap3A_328 = tpu.memref_squeeze %swap3A_327 : memref<1x32x128xf32, #tpu.memory_space<vmem>> -> memref<32x128xf32, #tpu.memory_space<vmem>>
        %swap3A_329 = arith.index_cast %swap3A_324 : i32 to index
        %swap3A_330 = arith.index_cast %mul3A_323 : i32 to index
        %swap3A_331 = tpu.vector_load %swap3A_328[%swap3A_329, %swap3A_330] {strides = array<i32>} : memref<32x128xf32, #tpu.memory_space<vmem>>, vector<16xf32>,
        tpu.vector_store %swap3A_328[%swap3A_329, %swap3A_330], %gather3A_321 {strides = array<i32>} : memref<32x128xf32, #tpu.memory_space<vmem>>, vector<16xf32>,
        %add3A_332 = arith.constant 7 : i32
        %add3A_333 = vector.broadcast %add3A_332 : i32 to vector<16xi32>
        %add3A_334 = arith.addi %get3A_207, %add3A_333 : vector<16xi32>
        %gather3A_335 = arith.constant 0 : i32
        %gather3A_336 = arith.constant 0 : i32
        %gather3A_337 = tpu.memref_slice %arg8[%select_n3A_144, %gather3A_335, %gather3A_336] : memref<6x128x128xf32, #tpu.memory_space<vmem>> -> memref<1x128x128xf32, #tpu.memory_space<vmem>>
        %gather3A_338 = tpu.memref_squeeze %gather3A_337 : memref<1x128x128xf32, #tpu.memory_space<vmem>> -> memref<128x128xf32, #tpu.memory_space<vmem>>
        %gather3A_339 = tpu.vector_load_idx %gather3A_338[%add3A_202, %add3A_334] : memref<128x128xf32, #tpu.memory_space<vmem>>[vector<16xi32>, vector<16xi32>], vector<16xf32>,
        %mul3A_340 = arith.constant 16 : i32
        %mul3A_341 = arith.muli %scan3A_198, %mul3A_340 : i32
        %swap3A_342 = arith.constant 7 : i32
        %swap3A_343 = arith.constant 0 : i32
        %swap3A_344 = arith.constant 0 : i32
        %swap3A_345 = tpu.memref_slice %arg9[%select_n3A_171, %swap3A_343, %swap3A_344] : memref<2x32x128xf32, #tpu.memory_space<vmem>> -> memref<1x32x128xf32, #tpu.memory_space<vmem>>
        %swap3A_346 = tpu.memref_squeeze %swap3A_345 : memref<1x32x128xf32, #tpu.memory_space<vmem>> -> memref<32x128xf32, #tpu.memory_space<vmem>>
        %swap3A_347 = arith.index_cast %swap3A_342 : i32 to index
        %swap3A_348 = arith.index_cast %mul3A_341 : i32 to index
        %swap3A_349 = tpu.vector_load %swap3A_346[%swap3A_347, %swap3A_348] {strides = array<i32>} : memref<32x128xf32, #tpu.memory_space<vmem>>, vector<16xf32>,
        tpu.vector_store %swap3A_346[%swap3A_347, %swap3A_348], %gather3A_339 {strides = array<i32>} : memref<32x128xf32, #tpu.memory_space<vmem>>, vector<16xf32>,
        %add3A_350 = arith.constant 8 : i32
        %add3A_351 = vector.broadcast %add3A_350 : i32 to vector<16xi32>
        %add3A_352 = arith.addi %get3A_207, %add3A_351 : vector<16xi32>
        %gather3A_353 = arith.constant 0 : i32
        %gather3A_354 = arith.constant 0 : i32
        %gather3A_355 = tpu.memref_slice %arg8[%select_n3A_144, %gather3A_353, %gather3A_354] : memref<6x128x128xf32, #tpu.memory_space<vmem>> -> memref<1x128x128xf32, #tpu.memory_space<vmem>>
        %gather3A_356 = tpu.memref_squeeze %gather3A_355 : memref<1x128x128xf32, #tpu.memory_space<vmem>> -> memref<128x128xf32, #tpu.memory_space<vmem>>
        %gather3A_357 = tpu.vector_load_idx %gather3A_356[%add3A_202, %add3A_352] : memref<128x128xf32, #tpu.memory_space<vmem>>[vector<16xi32>, vector<16xi32>], vector<16xf32>,
        %mul3A_358 = arith.constant 16 : i32
        %mul3A_359 = arith.muli %scan3A_198, %mul3A_358 : i32
        %swap3A_360 = arith.constant 8 : i32
        %swap3A_361 = arith.constant 0 : i32
        %swap3A_362 = arith.constant 0 : i32
        %swap3A_363 = tpu.memref_slice %arg9[%select_n3A_171, %swap3A_361, %swap3A_362] : memref<2x32x128xf32, #tpu.memory_space<vmem>> -> memref<1x32x128xf32, #tpu.memory_space<vmem>>
        %swap3A_364 = tpu.memref_squeeze %swap3A_363 : memref<1x32x128xf32, #tpu.memory_space<vmem>> -> memref<32x128xf32, #tpu.memory_space<vmem>>
        %swap3A_365 = arith.index_cast %swap3A_360 : i32 to index
        %swap3A_366 = arith.index_cast %mul3A_359 : i32 to index
        %swap3A_367 = tpu.vector_load %swap3A_364[%swap3A_365, %swap3A_366] {strides = array<i32>} : memref<32x128xf32, #tpu.memory_space<vmem>>, vector<16xf32>,
        tpu.vector_store %swap3A_364[%swap3A_365, %swap3A_366], %gather3A_357 {strides = array<i32>} : memref<32x128xf32, #tpu.memory_space<vmem>>, vector<16xf32>,
        %add3A_368 = arith.constant 9 : i32
        %add3A_369 = vector.broadcast %add3A_368 : i32 to vector<16xi32>
        %add3A_370 = arith.addi %get3A_207, %add3A_369 : vector<16xi32>
        %gather3A_371 = arith.constant 0 : i32
        %gather3A_372 = arith.constant 0 : i32
        %gather3A_373 = tpu.memref_slice %arg8[%select_n3A_144, %gather3A_371, %gather3A_372] : memref<6x128x128xf32, #tpu.memory_space<vmem>> -> memref<1x128x128xf32, #tpu.memory_space<vmem>>
        %gather3A_374 = tpu.memref_squeeze %gather3A_373 : memref<1x128x128xf32, #tpu.memory_space<vmem>> -> memref<128x128xf32, #tpu.memory_space<vmem>>
        %gather3A_375 = tpu.vector_load_idx %gather3A_374[%add3A_202, %add3A_370] : memref<128x128xf32, #tpu.memory_space<vmem>>[vector<16xi32>, vector<16xi32>], vector<16xf32>,
        %mul3A_376 = arith.constant 16 : i32
        %mul3A_377 = arith.muli %scan3A_198, %mul3A_376 : i32
        %swap3A_378 = arith.constant 9 : i32
        %swap3A_379 = arith.constant 0 : i32
        %swap3A_380 = arith.constant 0 : i32
        %swap3A_381 = tpu.memref_slice %arg9[%select_n3A_171, %swap3A_379, %swap3A_380] : memref<2x32x128xf32, #tpu.memory_space<vmem>> -> memref<1x32x128xf32, #tpu.memory_space<vmem>>
        %swap3A_382 = tpu.memref_squeeze %swap3A_381 : memref<1x32x128xf32, #tpu.memory_space<vmem>> -> memref<32x128xf32, #tpu.memory_space<vmem>>
        %swap3A_383 = arith.index_cast %swap3A_378 : i32 to index
        %swap3A_384 = arith.index_cast %mul3A_377 : i32 to index
        %swap3A_385 = tpu.vector_load %swap3A_382[%swap3A_383, %swap3A_384] {strides = array<i32>} : memref<32x128xf32, #tpu.memory_space<vmem>>, vector<16xf32>,
        tpu.vector_store %swap3A_382[%swap3A_383, %swap3A_384], %gather3A_375 {strides = array<i32>} : memref<32x128xf32, #tpu.memory_space<vmem>>, vector<16xf32>,
        %add3A_386 = arith.constant 10 : i32
        %add3A_387 = vector.broadcast %add3A_386 : i32 to vector<16xi32>
        %add3A_388 = arith.addi %get3A_207, %add3A_387 : vector<16xi32>
        %gather3A_389 = arith.constant 0 : i32
        %gather3A_390 = arith.constant 0 : i32
        %gather3A_391 = tpu.memref_slice %arg8[%select_n3A_144, %gather3A_389, %gather3A_390] : memref<6x128x128xf32, #tpu.memory_space<vmem>> -> memref<1x128x128xf32, #tpu.memory_space<vmem>>
        %gather3A_392 = tpu.memref_squeeze %gather3A_391 : memref<1x128x128xf32, #tpu.memory_space<vmem>> -> memref<128x128xf32, #tpu.memory_space<vmem>>
        %gather3A_393 = tpu.vector_load_idx %gather3A_392[%add3A_202, %add3A_388] : memref<128x128xf32, #tpu.memory_space<vmem>>[vector<16xi32>, vector<16xi32>], vector<16xf32>,
        %mul3A_394 = arith.constant 16 : i32
        %mul3A_395 = arith.muli %scan3A_198, %mul3A_394 : i32
        %swap3A_396 = arith.constant 10 : i32
        %swap3A_397 = arith.constant 0 : i32
        %swap3A_398 = arith.constant 0 : i32
        %swap3A_399 = tpu.memref_slice %arg9[%select_n3A_171, %swap3A_397, %swap3A_398] : memref<2x32x128xf32, #tpu.memory_space<vmem>> -> memref<1x32x128xf32, #tpu.memory_space<vmem>>
        %swap3A_400 = tpu.memref_squeeze %swap3A_399 : memref<1x32x128xf32, #tpu.memory_space<vmem>> -> memref<32x128xf32, #tpu.memory_space<vmem>>
        %swap3A_401 = arith.index_cast %swap3A_396 : i32 to index
        %swap3A_402 = arith.index_cast %mul3A_395 : i32 to index
        %swap3A_403 = tpu.vector_load %swap3A_400[%swap3A_401, %swap3A_402] {strides = array<i32>} : memref<32x128xf32, #tpu.memory_space<vmem>>, vector<16xf32>,
        tpu.vector_store %swap3A_400[%swap3A_401, %swap3A_402], %gather3A_393 {strides = array<i32>} : memref<32x128xf32, #tpu.memory_space<vmem>>, vector<16xf32>,
        %add3A_404 = arith.constant 11 : i32
        %add3A_405 = vector.broadcast %add3A_404 : i32 to vector<16xi32>
        %add3A_406 = arith.addi %get3A_207, %add3A_405 : vector<16xi32>
        %gather3A_407 = arith.constant 0 : i32
        %gather3A_408 = arith.constant 0 : i32
        %gather3A_409 = tpu.memref_slice %arg8[%select_n3A_144, %gather3A_407, %gather3A_408] : memref<6x128x128xf32, #tpu.memory_space<vmem>> -> memref<1x128x128xf32, #tpu.memory_space<vmem>>
        %gather3A_410 = tpu.memref_squeeze %gather3A_409 : memref<1x128x128xf32, #tpu.memory_space<vmem>> -> memref<128x128xf32, #tpu.memory_space<vmem>>
        %gather3A_411 = tpu.vector_load_idx %gather3A_410[%add3A_202, %add3A_406] : memref<128x128xf32, #tpu.memory_space<vmem>>[vector<16xi32>, vector<16xi32>], vector<16xf32>,
        %mul3A_412 = arith.constant 16 : i32
        %mul3A_413 = arith.muli %scan3A_198, %mul3A_412 : i32
        %swap3A_414 = arith.constant 11 : i32
        %swap3A_415 = arith.constant 0 : i32
        %swap3A_416 = arith.constant 0 : i32
        %swap3A_417 = tpu.memref_slice %arg9[%select_n3A_171, %swap3A_415, %swap3A_416] : memref<2x32x128xf32, #tpu.memory_space<vmem>> -> memref<1x32x128xf32, #tpu.memory_space<vmem>>
        %swap3A_418 = tpu.memref_squeeze %swap3A_417 : memref<1x32x128xf32, #tpu.memory_space<vmem>> -> memref<32x128xf32, #tpu.memory_space<vmem>>
        %swap3A_419 = arith.index_cast %swap3A_414 : i32 to index
        %swap3A_420 = arith.index_cast %mul3A_413 : i32 to index
        %swap3A_421 = tpu.vector_load %swap3A_418[%swap3A_419, %swap3A_420] {strides = array<i32>} : memref<32x128xf32, #tpu.memory_space<vmem>>, vector<16xf32>,
        tpu.vector_store %swap3A_418[%swap3A_419, %swap3A_420], %gather3A_411 {strides = array<i32>} : memref<32x128xf32, #tpu.memory_space<vmem>>, vector<16xf32>,
        %add3A_422 = arith.constant 12 : i32
        %add3A_423 = vector.broadcast %add3A_422 : i32 to vector<16xi32>
        %add3A_424 = arith.addi %get3A_207, %add3A_423 : vector<16xi32>
        %gather3A_425 = arith.constant 0 : i32
        %gather3A_426 = arith.constant 0 : i32
        %gather3A_427 = tpu.memref_slice %arg8[%select_n3A_144, %gather3A_425, %gather3A_426] : memref<6x128x128xf32, #tpu.memory_space<vmem>> -> memref<1x128x128xf32, #tpu.memory_space<vmem>>
        %gather3A_428 = tpu.memref_squeeze %gather3A_427 : memref<1x128x128xf32, #tpu.memory_space<vmem>> -> memref<128x128xf32, #tpu.memory_space<vmem>>
        %gather3A_429 = tpu.vector_load_idx %gather3A_428[%add3A_202, %add3A_424] : memref<128x128xf32, #tpu.memory_space<vmem>>[vector<16xi32>, vector<16xi32>], vector<16xf32>,
        %mul3A_430 = arith.constant 16 : i32
        %mul3A_431 = arith.muli %scan3A_198, %mul3A_430 : i32
        %swap3A_432 = arith.constant 12 : i32
        %swap3A_433 = arith.constant 0 : i32
        %swap3A_434 = arith.constant 0 : i32
        %swap3A_435 = tpu.memref_slice %arg9[%select_n3A_171, %swap3A_433, %swap3A_434] : memref<2x32x128xf32, #tpu.memory_space<vmem>> -> memref<1x32x128xf32, #tpu.memory_space<vmem>>
        %swap3A_436 = tpu.memref_squeeze %swap3A_435 : memref<1x32x128xf32, #tpu.memory_space<vmem>> -> memref<32x128xf32, #tpu.memory_space<vmem>>
        %swap3A_437 = arith.index_cast %swap3A_432 : i32 to index
        %swap3A_438 = arith.index_cast %mul3A_431 : i32 to index
        %swap3A_439 = tpu.vector_load %swap3A_436[%swap3A_437, %swap3A_438] {strides = array<i32>} : memref<32x128xf32, #tpu.memory_space<vmem>>, vector<16xf32>,
        tpu.vector_store %swap3A_436[%swap3A_437, %swap3A_438], %gather3A_429 {strides = array<i32>} : memref<32x128xf32, #tpu.memory_space<vmem>>, vector<16xf32>,
        %add3A_440 = arith.constant 13 : i32
        %add3A_441 = vector.broadcast %add3A_440 : i32 to vector<16xi32>
        %add3A_442 = arith.addi %get3A_207, %add3A_441 : vector<16xi32>
        %gather3A_443 = arith.constant 0 : i32
        %gather3A_444 = arith.constant 0 : i32
        %gather3A_445 = tpu.memref_slice %arg8[%select_n3A_144, %gather3A_443, %gather3A_444] : memref<6x128x128xf32, #tpu.memory_space<vmem>> -> memref<1x128x128xf32, #tpu.memory_space<vmem>>
        %gather3A_446 = tpu.memref_squeeze %gather3A_445 : memref<1x128x128xf32, #tpu.memory_space<vmem>> -> memref<128x128xf32, #tpu.memory_space<vmem>>
        %gather3A_447 = tpu.vector_load_idx %gather3A_446[%add3A_202, %add3A_442] : memref<128x128xf32, #tpu.memory_space<vmem>>[vector<16xi32>, vector<16xi32>], vector<16xf32>,
        %mul3A_448 = arith.constant 16 : i32
        %mul3A_449 = arith.muli %scan3A_198, %mul3A_448 : i32
        %swap3A_450 = arith.constant 13 : i32
        %swap3A_451 = arith.constant 0 : i32
        %swap3A_452 = arith.constant 0 : i32
        %swap3A_453 = tpu.memref_slice %arg9[%select_n3A_171, %swap3A_451, %swap3A_452] : memref<2x32x128xf32, #tpu.memory_space<vmem>> -> memref<1x32x128xf32, #tpu.memory_space<vmem>>
        %swap3A_454 = tpu.memref_squeeze %swap3A_453 : memref<1x32x128xf32, #tpu.memory_space<vmem>> -> memref<32x128xf32, #tpu.memory_space<vmem>>
        %swap3A_455 = arith.index_cast %swap3A_450 : i32 to index
        %swap3A_456 = arith.index_cast %mul3A_449 : i32 to index
        %swap3A_457 = tpu.vector_load %swap3A_454[%swap3A_455, %swap3A_456] {strides = array<i32>} : memref<32x128xf32, #tpu.memory_space<vmem>>, vector<16xf32>,
        tpu.vector_store %swap3A_454[%swap3A_455, %swap3A_456], %gather3A_447 {strides = array<i32>} : memref<32x128xf32, #tpu.memory_space<vmem>>, vector<16xf32>,
        %add3A_458 = arith.constant 14 : i32
        %add3A_459 = vector.broadcast %add3A_458 : i32 to vector<16xi32>
        %add3A_460 = arith.addi %get3A_207, %add3A_459 : vector<16xi32>
        %gather3A_461 = arith.constant 0 : i32
        %gather3A_462 = arith.constant 0 : i32
        %gather3A_463 = tpu.memref_slice %arg8[%select_n3A_144, %gather3A_461, %gather3A_462] : memref<6x128x128xf32, #tpu.memory_space<vmem>> -> memref<1x128x128xf32, #tpu.memory_space<vmem>>
        %gather3A_464 = tpu.memref_squeeze %gather3A_463 : memref<1x128x128xf32, #tpu.memory_space<vmem>> -> memref<128x128xf32, #tpu.memory_space<vmem>>
        %gather3A_465 = tpu.vector_load_idx %gather3A_464[%add3A_202, %add3A_460] : memref<128x128xf32, #tpu.memory_space<vmem>>[vector<16xi32>, vector<16xi32>], vector<16xf32>,
        %mul3A_466 = arith.constant 16 : i32
        %mul3A_467 = arith.muli %scan3A_198, %mul3A_466 : i32
        %swap3A_468 = arith.constant 14 : i32
        %swap3A_469 = arith.constant 0 : i32
        %swap3A_470 = arith.constant 0 : i32
        %swap3A_471 = tpu.memref_slice %arg9[%select_n3A_171, %swap3A_469, %swap3A_470] : memref<2x32x128xf32, #tpu.memory_space<vmem>> -> memref<1x32x128xf32, #tpu.memory_space<vmem>>
        %swap3A_472 = tpu.memref_squeeze %swap3A_471 : memref<1x32x128xf32, #tpu.memory_space<vmem>> -> memref<32x128xf32, #tpu.memory_space<vmem>>
        %swap3A_473 = arith.index_cast %swap3A_468 : i32 to index
        %swap3A_474 = arith.index_cast %mul3A_467 : i32 to index
        %swap3A_475 = tpu.vector_load %swap3A_472[%swap3A_473, %swap3A_474] {strides = array<i32>} : memref<32x128xf32, #tpu.memory_space<vmem>>, vector<16xf32>,
        tpu.vector_store %swap3A_472[%swap3A_473, %swap3A_474], %gather3A_465 {strides = array<i32>} : memref<32x128xf32, #tpu.memory_space<vmem>>, vector<16xf32>,
        %add3A_476 = arith.constant 15 : i32
        %add3A_477 = vector.broadcast %add3A_476 : i32 to vector<16xi32>
        %add3A_478 = arith.addi %get3A_207, %add3A_477 : vector<16xi32>
        %gather3A_479 = arith.constant 0 : i32
        %gather3A_480 = arith.constant 0 : i32
        %gather3A_481 = tpu.memref_slice %arg8[%select_n3A_144, %gather3A_479, %gather3A_480] : memref<6x128x128xf32, #tpu.memory_space<vmem>> -> memref<1x128x128xf32, #tpu.memory_space<vmem>>
        %gather3A_482 = tpu.memref_squeeze %gather3A_481 : memref<1x128x128xf32, #tpu.memory_space<vmem>> -> memref<128x128xf32, #tpu.memory_space<vmem>>
        %gather3A_483 = tpu.vector_load_idx %gather3A_482[%add3A_202, %add3A_478] : memref<128x128xf32, #tpu.memory_space<vmem>>[vector<16xi32>, vector<16xi32>], vector<16xf32>,
        %mul3A_484 = arith.constant 16 : i32
        %mul3A_485 = arith.muli %scan3A_198, %mul3A_484 : i32
        %swap3A_486 = arith.constant 15 : i32
        %swap3A_487 = arith.constant 0 : i32
        %swap3A_488 = arith.constant 0 : i32
        %swap3A_489 = tpu.memref_slice %arg9[%select_n3A_171, %swap3A_487, %swap3A_488] : memref<2x32x128xf32, #tpu.memory_space<vmem>> -> memref<1x32x128xf32, #tpu.memory_space<vmem>>
        %swap3A_490 = tpu.memref_squeeze %swap3A_489 : memref<1x32x128xf32, #tpu.memory_space<vmem>> -> memref<32x128xf32, #tpu.memory_space<vmem>>
        %swap3A_491 = arith.index_cast %swap3A_486 : i32 to index
        %swap3A_492 = arith.index_cast %mul3A_485 : i32 to index
        %swap3A_493 = tpu.vector_load %swap3A_490[%swap3A_491, %swap3A_492] {strides = array<i32>} : memref<32x128xf32, #tpu.memory_space<vmem>>, vector<16xf32>,
        tpu.vector_store %swap3A_490[%swap3A_491, %swap3A_492], %gather3A_483 {strides = array<i32>} : memref<32x128xf32, #tpu.memory_space<vmem>>, vector<16xf32>,
        %add3A_494 = arith.constant 16 : i32
        %add3A_495 = vector.broadcast %add3A_494 : i32 to vector<16xi32>
        %add3A_496 = arith.addi %get3A_207, %add3A_495 : vector<16xi32>
        %gather3A_497 = arith.constant 0 : i32
        %gather3A_498 = arith.constant 0 : i32
        %gather3A_499 = tpu.memref_slice %arg8[%select_n3A_144, %gather3A_497, %gather3A_498] : memref<6x128x128xf32, #tpu.memory_space<vmem>> -> memref<1x128x128xf32, #tpu.memory_space<vmem>>
        %gather3A_500 = tpu.memref_squeeze %gather3A_499 : memref<1x128x128xf32, #tpu.memory_space<vmem>> -> memref<128x128xf32, #tpu.memory_space<vmem>>
        %gather3A_501 = tpu.vector_load_idx %gather3A_500[%add3A_202, %add3A_496] : memref<128x128xf32, #tpu.memory_space<vmem>>[vector<16xi32>, vector<16xi32>], vector<16xf32>,
        %mul3A_502 = arith.constant 16 : i32
        %mul3A_503 = arith.muli %scan3A_198, %mul3A_502 : i32
        %swap3A_504 = arith.constant 16 : i32
        %swap3A_505 = arith.constant 0 : i32
        %swap3A_506 = arith.constant 0 : i32
        %swap3A_507 = tpu.memref_slice %arg9[%select_n3A_171, %swap3A_505, %swap3A_506] : memref<2x32x128xf32, #tpu.memory_space<vmem>> -> memref<1x32x128xf32, #tpu.memory_space<vmem>>
        %swap3A_508 = tpu.memref_squeeze %swap3A_507 : memref<1x32x128xf32, #tpu.memory_space<vmem>> -> memref<32x128xf32, #tpu.memory_space<vmem>>
        %swap3A_509 = arith.index_cast %swap3A_504 : i32 to index
        %swap3A_510 = arith.index_cast %mul3A_503 : i32 to index
        %swap3A_511 = tpu.vector_load %swap3A_508[%swap3A_509, %swap3A_510] {strides = array<i32>} : memref<32x128xf32, #tpu.memory_space<vmem>>, vector<16xf32>,
        tpu.vector_store %swap3A_508[%swap3A_509, %swap3A_510], %gather3A_501 {strides = array<i32>} : memref<32x128xf32, #tpu.memory_space<vmem>>, vector<16xf32>,
        %add3A_512 = arith.constant 17 : i32
        %add3A_513 = vector.broadcast %add3A_512 : i32 to vector<16xi32>
        %add3A_514 = arith.addi %get3A_207, %add3A_513 : vector<16xi32>
        %gather3A_515 = arith.constant 0 : i32
        %gather3A_516 = arith.constant 0 : i32
        %gather3A_517 = tpu.memref_slice %arg8[%select_n3A_144, %gather3A_515, %gather3A_516] : memref<6x128x128xf32, #tpu.memory_space<vmem>> -> memref<1x128x128xf32, #tpu.memory_space<vmem>>
        %gather3A_518 = tpu.memref_squeeze %gather3A_517 : memref<1x128x128xf32, #tpu.memory_space<vmem>> -> memref<128x128xf32, #tpu.memory_space<vmem>>
        %gather3A_519 = tpu.vector_load_idx %gather3A_518[%add3A_202, %add3A_514] : memref<128x128xf32, #tpu.memory_space<vmem>>[vector<16xi32>, vector<16xi32>], vector<16xf32>,
        %mul3A_520 = arith.constant 16 : i32
        %mul3A_521 = arith.muli %scan3A_198, %mul3A_520 : i32
        %swap3A_522 = arith.constant 17 : i32
        %swap3A_523 = arith.constant 0 : i32
        %swap3A_524 = arith.constant 0 : i32
        %swap3A_525 = tpu.memref_slice %arg9[%select_n3A_171, %swap3A_523, %swap3A_524] : memref<2x32x128xf32, #tpu.memory_space<vmem>> -> memref<1x32x128xf32, #tpu.memory_space<vmem>>
        %swap3A_526 = tpu.memref_squeeze %swap3A_525 : memref<1x32x128xf32, #tpu.memory_space<vmem>> -> memref<32x128xf32, #tpu.memory_space<vmem>>
        %swap3A_527 = arith.index_cast %swap3A_522 : i32 to index
        %swap3A_528 = arith.index_cast %mul3A_521 : i32 to index
        %swap3A_529 = tpu.vector_load %swap3A_526[%swap3A_527, %swap3A_528] {strides = array<i32>} : memref<32x128xf32, #tpu.memory_space<vmem>>, vector<16xf32>,
        tpu.vector_store %swap3A_526[%swap3A_527, %swap3A_528], %gather3A_519 {strides = array<i32>} : memref<32x128xf32, #tpu.memory_space<vmem>>, vector<16xf32>,
        %add3A_530 = arith.constant 18 : i32
        %add3A_531 = vector.broadcast %add3A_530 : i32 to vector<16xi32>
        %add3A_532 = arith.addi %get3A_207, %add3A_531 : vector<16xi32>
        %gather3A_533 = arith.constant 0 : i32
        %gather3A_534 = arith.constant 0 : i32
        %gather3A_535 = tpu.memref_slice %arg8[%select_n3A_144, %gather3A_533, %gather3A_534] : memref<6x128x128xf32, #tpu.memory_space<vmem>> -> memref<1x128x128xf32, #tpu.memory_space<vmem>>
        %gather3A_536 = tpu.memref_squeeze %gather3A_535 : memref<1x128x128xf32, #tpu.memory_space<vmem>> -> memref<128x128xf32, #tpu.memory_space<vmem>>
        %gather3A_537 = tpu.vector_load_idx %gather3A_536[%add3A_202, %add3A_532] : memref<128x128xf32, #tpu.memory_space<vmem>>[vector<16xi32>, vector<16xi32>], vector<16xf32>,
        %mul3A_538 = arith.constant 16 : i32
        %mul3A_539 = arith.muli %scan3A_198, %mul3A_538 : i32
        %swap3A_540 = arith.constant 18 : i32
        %swap3A_541 = arith.constant 0 : i32
        %swap3A_542 = arith.constant 0 : i32
        %swap3A_543 = tpu.memref_slice %arg9[%select_n3A_171, %swap3A_541, %swap3A_542] : memref<2x32x128xf32, #tpu.memory_space<vmem>> -> memref<1x32x128xf32, #tpu.memory_space<vmem>>
        %swap3A_544 = tpu.memref_squeeze %swap3A_543 : memref<1x32x128xf32, #tpu.memory_space<vmem>> -> memref<32x128xf32, #tpu.memory_space<vmem>>
        %swap3A_545 = arith.index_cast %swap3A_540 : i32 to index
        %swap3A_546 = arith.index_cast %mul3A_539 : i32 to index
        %swap3A_547 = tpu.vector_load %swap3A_544[%swap3A_545, %swap3A_546] {strides = array<i32>} : memref<32x128xf32, #tpu.memory_space<vmem>>, vector<16xf32>,
        tpu.vector_store %swap3A_544[%swap3A_545, %swap3A_546], %gather3A_537 {strides = array<i32>} : memref<32x128xf32, #tpu.memory_space<vmem>>, vector<16xf32>,
        %add3A_548 = arith.constant 19 : i32
        %add3A_549 = vector.broadcast %add3A_548 : i32 to vector<16xi32>
        %add3A_550 = arith.addi %get3A_207, %add3A_549 : vector<16xi32>
        %gather3A_551 = arith.constant 0 : i32
        %gather3A_552 = arith.constant 0 : i32
        %gather3A_553 = tpu.memref_slice %arg8[%select_n3A_144, %gather3A_551, %gather3A_552] : memref<6x128x128xf32, #tpu.memory_space<vmem>> -> memref<1x128x128xf32, #tpu.memory_space<vmem>>
        %gather3A_554 = tpu.memref_squeeze %gather3A_553 : memref<1x128x128xf32, #tpu.memory_space<vmem>> -> memref<128x128xf32, #tpu.memory_space<vmem>>
        %gather3A_555 = tpu.vector_load_idx %gather3A_554[%add3A_202, %add3A_550] : memref<128x128xf32, #tpu.memory_space<vmem>>[vector<16xi32>, vector<16xi32>], vector<16xf32>,
        %mul3A_556 = arith.constant 16 : i32
        %mul3A_557 = arith.muli %scan3A_198, %mul3A_556 : i32
        %swap3A_558 = arith.constant 19 : i32
        %swap3A_559 = arith.constant 0 : i32
        %swap3A_560 = arith.constant 0 : i32
        %swap3A_561 = tpu.memref_slice %arg9[%select_n3A_171, %swap3A_559, %swap3A_560] : memref<2x32x128xf32, #tpu.memory_space<vmem>> -> memref<1x32x128xf32, #tpu.memory_space<vmem>>
        %swap3A_562 = tpu.memref_squeeze %swap3A_561 : memref<1x32x128xf32, #tpu.memory_space<vmem>> -> memref<32x128xf32, #tpu.memory_space<vmem>>
        %swap3A_563 = arith.index_cast %swap3A_558 : i32 to index
        %swap3A_564 = arith.index_cast %mul3A_557 : i32 to index
        %swap3A_565 = tpu.vector_load %swap3A_562[%swap3A_563, %swap3A_564] {strides = array<i32>} : memref<32x128xf32, #tpu.memory_space<vmem>>, vector<16xf32>,
        tpu.vector_store %swap3A_562[%swap3A_563, %swap3A_564], %gather3A_555 {strides = array<i32>} : memref<32x128xf32, #tpu.memory_space<vmem>>, vector<16xf32>,
        %add3A_566 = arith.constant 20 : i32
        %add3A_567 = vector.broadcast %add3A_566 : i32 to vector<16xi32>
        %add3A_568 = arith.addi %get3A_207, %add3A_567 : vector<16xi32>
        %gather3A_569 = arith.constant 0 : i32
        %gather3A_570 = arith.constant 0 : i32
        %gather3A_571 = tpu.memref_slice %arg8[%select_n3A_144, %gather3A_569, %gather3A_570] : memref<6x128x128xf32, #tpu.memory_space<vmem>> -> memref<1x128x128xf32, #tpu.memory_space<vmem>>
        %gather3A_572 = tpu.memref_squeeze %gather3A_571 : memref<1x128x128xf32, #tpu.memory_space<vmem>> -> memref<128x128xf32, #tpu.memory_space<vmem>>
        %gather3A_573 = tpu.vector_load_idx %gather3A_572[%add3A_202, %add3A_568] : memref<128x128xf32, #tpu.memory_space<vmem>>[vector<16xi32>, vector<16xi32>], vector<16xf32>,
        %mul3A_574 = arith.constant 16 : i32
        %mul3A_575 = arith.muli %scan3A_198, %mul3A_574 : i32
        %swap3A_576 = arith.constant 20 : i32
        %swap3A_577 = arith.constant 0 : i32
        %swap3A_578 = arith.constant 0 : i32
        %swap3A_579 = tpu.memref_slice %arg9[%select_n3A_171, %swap3A_577, %swap3A_578] : memref<2x32x128xf32, #tpu.memory_space<vmem>> -> memref<1x32x128xf32, #tpu.memory_space<vmem>>
        %swap3A_580 = tpu.memref_squeeze %swap3A_579 : memref<1x32x128xf32, #tpu.memory_space<vmem>> -> memref<32x128xf32, #tpu.memory_space<vmem>>
        %swap3A_581 = arith.index_cast %swap3A_576 : i32 to index
        %swap3A_582 = arith.index_cast %mul3A_575 : i32 to index
        %swap3A_583 = tpu.vector_load %swap3A_580[%swap3A_581, %swap3A_582] {strides = array<i32>} : memref<32x128xf32, #tpu.memory_space<vmem>>, vector<16xf32>,
        tpu.vector_store %swap3A_580[%swap3A_581, %swap3A_582], %gather3A_573 {strides = array<i32>} : memref<32x128xf32, #tpu.memory_space<vmem>>, vector<16xf32>,
        %add3A_584 = arith.constant 21 : i32
        %add3A_585 = vector.broadcast %add3A_584 : i32 to vector<16xi32>
        %add3A_586 = arith.addi %get3A_207, %add3A_585 : vector<16xi32>
        %gather3A_587 = arith.constant 0 : i32
        %gather3A_588 = arith.constant 0 : i32
        %gather3A_589 = tpu.memref_slice %arg8[%select_n3A_144, %gather3A_587, %gather3A_588] : memref<6x128x128xf32, #tpu.memory_space<vmem>> -> memref<1x128x128xf32, #tpu.memory_space<vmem>>
        %gather3A_590 = tpu.memref_squeeze %gather3A_589 : memref<1x128x128xf32, #tpu.memory_space<vmem>> -> memref<128x128xf32, #tpu.memory_space<vmem>>
        %gather3A_591 = tpu.vector_load_idx %gather3A_590[%add3A_202, %add3A_586] : memref<128x128xf32, #tpu.memory_space<vmem>>[vector<16xi32>, vector<16xi32>], vector<16xf32>,
        %mul3A_592 = arith.constant 16 : i32
        %mul3A_593 = arith.muli %scan3A_198, %mul3A_592 : i32
        %swap3A_594 = arith.constant 21 : i32
        %swap3A_595 = arith.constant 0 : i32
        %swap3A_596 = arith.constant 0 : i32
        %swap3A_597 = tpu.memref_slice %arg9[%select_n3A_171, %swap3A_595, %swap3A_596] : memref<2x32x128xf32, #tpu.memory_space<vmem>> -> memref<1x32x128xf32, #tpu.memory_space<vmem>>
        %swap3A_598 = tpu.memref_squeeze %swap3A_597 : memref<1x32x128xf32, #tpu.memory_space<vmem>> -> memref<32x128xf32, #tpu.memory_space<vmem>>
        %swap3A_599 = arith.index_cast %swap3A_594 : i32 to index
        %swap3A_600 = arith.index_cast %mul3A_593 : i32 to index
        %swap3A_601 = tpu.vector_load %swap3A_598[%swap3A_599, %swap3A_600] {strides = array<i32>} : memref<32x128xf32, #tpu.memory_space<vmem>>, vector<16xf32>,
        tpu.vector_store %swap3A_598[%swap3A_599, %swap3A_600], %gather3A_591 {strides = array<i32>} : memref<32x128xf32, #tpu.memory_space<vmem>>, vector<16xf32>,
        %add3A_602 = arith.constant 22 : i32
        %add3A_603 = vector.broadcast %add3A_602 : i32 to vector<16xi32>
        %add3A_604 = arith.addi %get3A_207, %add3A_603 : vector<16xi32>
        %gather3A_605 = arith.constant 0 : i32
        %gather3A_606 = arith.constant 0 : i32
        %gather3A_607 = tpu.memref_slice %arg8[%select_n3A_144, %gather3A_605, %gather3A_606] : memref<6x128x128xf32, #tpu.memory_space<vmem>> -> memref<1x128x128xf32, #tpu.memory_space<vmem>>
        %gather3A_608 = tpu.memref_squeeze %gather3A_607 : memref<1x128x128xf32, #tpu.memory_space<vmem>> -> memref<128x128xf32, #tpu.memory_space<vmem>>
        %gather3A_609 = tpu.vector_load_idx %gather3A_608[%add3A_202, %add3A_604] : memref<128x128xf32, #tpu.memory_space<vmem>>[vector<16xi32>, vector<16xi32>], vector<16xf32>,
        %mul3A_610 = arith.constant 16 : i32
        %mul3A_611 = arith.muli %scan3A_198, %mul3A_610 : i32
        %swap3A_612 = arith.constant 22 : i32
        %swap3A_613 = arith.constant 0 : i32
        %swap3A_614 = arith.constant 0 : i32
        %swap3A_615 = tpu.memref_slice %arg9[%select_n3A_171, %swap3A_613, %swap3A_614] : memref<2x32x128xf32, #tpu.memory_space<vmem>> -> memref<1x32x128xf32, #tpu.memory_space<vmem>>
        %swap3A_616 = tpu.memref_squeeze %swap3A_615 : memref<1x32x128xf32, #tpu.memory_space<vmem>> -> memref<32x128xf32, #tpu.memory_space<vmem>>
        %swap3A_617 = arith.index_cast %swap3A_612 : i32 to index
        %swap3A_618 = arith.index_cast %mul3A_611 : i32 to index
        %swap3A_619 = tpu.vector_load %swap3A_616[%swap3A_617, %swap3A_618] {strides = array<i32>} : memref<32x128xf32, #tpu.memory_space<vmem>>, vector<16xf32>,
        tpu.vector_store %swap3A_616[%swap3A_617, %swap3A_618], %gather3A_609 {strides = array<i32>} : memref<32x128xf32, #tpu.memory_space<vmem>>, vector<16xf32>,
        %add3A_620 = arith.constant 23 : i32
        %add3A_621 = vector.broadcast %add3A_620 : i32 to vector<16xi32>
        %add3A_622 = arith.addi %get3A_207, %add3A_621 : vector<16xi32>
        %gather3A_623 = arith.constant 0 : i32
        %gather3A_624 = arith.constant 0 : i32
        %gather3A_625 = tpu.memref_slice %arg8[%select_n3A_144, %gather3A_623, %gather3A_624] : memref<6x128x128xf32, #tpu.memory_space<vmem>> -> memref<1x128x128xf32, #tpu.memory_space<vmem>>
        %gather3A_626 = tpu.memref_squeeze %gather3A_625 : memref<1x128x128xf32, #tpu.memory_space<vmem>> -> memref<128x128xf32, #tpu.memory_space<vmem>>
        %gather3A_627 = tpu.vector_load_idx %gather3A_626[%add3A_202, %add3A_622] : memref<128x128xf32, #tpu.memory_space<vmem>>[vector<16xi32>, vector<16xi32>], vector<16xf32>,
        %mul3A_628 = arith.constant 16 : i32
        %mul3A_629 = arith.muli %scan3A_198, %mul3A_628 : i32
        %swap3A_630 = arith.constant 23 : i32
        %swap3A_631 = arith.constant 0 : i32
        %swap3A_632 = arith.constant 0 : i32
        %swap3A_633 = tpu.memref_slice %arg9[%select_n3A_171, %swap3A_631, %swap3A_632] : memref<2x32x128xf32, #tpu.memory_space<vmem>> -> memref<1x32x128xf32, #tpu.memory_space<vmem>>
        %swap3A_634 = tpu.memref_squeeze %swap3A_633 : memref<1x32x128xf32, #tpu.memory_space<vmem>> -> memref<32x128xf32, #tpu.memory_space<vmem>>
        %swap3A_635 = arith.index_cast %swap3A_630 : i32 to index
        %swap3A_636 = arith.index_cast %mul3A_629 : i32 to index
        %swap3A_637 = tpu.vector_load %swap3A_634[%swap3A_635, %swap3A_636] {strides = array<i32>} : memref<32x128xf32, #tpu.memory_space<vmem>>, vector<16xf32>,
        tpu.vector_store %swap3A_634[%swap3A_635, %swap3A_636], %gather3A_627 {strides = array<i32>} : memref<32x128xf32, #tpu.memory_space<vmem>>, vector<16xf32>,
        %add3A_638 = arith.constant 24 : i32
        %add3A_639 = vector.broadcast %add3A_638 : i32 to vector<16xi32>
        %add3A_640 = arith.addi %get3A_207, %add3A_639 : vector<16xi32>
        %gather3A_641 = arith.constant 0 : i32
        %gather3A_642 = arith.constant 0 : i32
        %gather3A_643 = tpu.memref_slice %arg8[%select_n3A_144, %gather3A_641, %gather3A_642] : memref<6x128x128xf32, #tpu.memory_space<vmem>> -> memref<1x128x128xf32, #tpu.memory_space<vmem>>
        %gather3A_644 = tpu.memref_squeeze %gather3A_643 : memref<1x128x128xf32, #tpu.memory_space<vmem>> -> memref<128x128xf32, #tpu.memory_space<vmem>>
        %gather3A_645 = tpu.vector_load_idx %gather3A_644[%add3A_202, %add3A_640] : memref<128x128xf32, #tpu.memory_space<vmem>>[vector<16xi32>, vector<16xi32>], vector<16xf32>,
        %mul3A_646 = arith.constant 16 : i32
        %mul3A_647 = arith.muli %scan3A_198, %mul3A_646 : i32
        %swap3A_648 = arith.constant 24 : i32
        %swap3A_649 = arith.constant 0 : i32
        %swap3A_650 = arith.constant 0 : i32
        %swap3A_651 = tpu.memref_slice %arg9[%select_n3A_171, %swap3A_649, %swap3A_650] : memref<2x32x128xf32, #tpu.memory_space<vmem>> -> memref<1x32x128xf32, #tpu.memory_space<vmem>>
        %swap3A_652 = tpu.memref_squeeze %swap3A_651 : memref<1x32x128xf32, #tpu.memory_space<vmem>> -> memref<32x128xf32, #tpu.memory_space<vmem>>
        %swap3A_653 = arith.index_cast %swap3A_648 : i32 to index
        %swap3A_654 = arith.index_cast %mul3A_647 : i32 to index
        %swap3A_655 = tpu.vector_load %swap3A_652[%swap3A_653, %swap3A_654] {strides = array<i32>} : memref<32x128xf32, #tpu.memory_space<vmem>>, vector<16xf32>,
        tpu.vector_store %swap3A_652[%swap3A_653, %swap3A_654], %gather3A_645 {strides = array<i32>} : memref<32x128xf32, #tpu.memory_space<vmem>>, vector<16xf32>,
        %add3A_656 = arith.constant 25 : i32
        %add3A_657 = vector.broadcast %add3A_656 : i32 to vector<16xi32>
        %add3A_658 = arith.addi %get3A_207, %add3A_657 : vector<16xi32>
        %gather3A_659 = arith.constant 0 : i32
        %gather3A_660 = arith.constant 0 : i32
        %gather3A_661 = tpu.memref_slice %arg8[%select_n3A_144, %gather3A_659, %gather3A_660] : memref<6x128x128xf32, #tpu.memory_space<vmem>> -> memref<1x128x128xf32, #tpu.memory_space<vmem>>
        %gather3A_662 = tpu.memref_squeeze %gather3A_661 : memref<1x128x128xf32, #tpu.memory_space<vmem>> -> memref<128x128xf32, #tpu.memory_space<vmem>>
        %gather3A_663 = tpu.vector_load_idx %gather3A_662[%add3A_202, %add3A_658] : memref<128x128xf32, #tpu.memory_space<vmem>>[vector<16xi32>, vector<16xi32>], vector<16xf32>,
        %mul3A_664 = arith.constant 16 : i32
        %mul3A_665 = arith.muli %scan3A_198, %mul3A_664 : i32
        %swap3A_666 = arith.constant 25 : i32
        %swap3A_667 = arith.constant 0 : i32
        %swap3A_668 = arith.constant 0 : i32
        %swap3A_669 = tpu.memref_slice %arg9[%select_n3A_171, %swap3A_667, %swap3A_668] : memref<2x32x128xf32, #tpu.memory_space<vmem>> -> memref<1x32x128xf32, #tpu.memory_space<vmem>>
        %swap3A_670 = tpu.memref_squeeze %swap3A_669 : memref<1x32x128xf32, #tpu.memory_space<vmem>> -> memref<32x128xf32, #tpu.memory_space<vmem>>
        %swap3A_671 = arith.index_cast %swap3A_666 : i32 to index
        %swap3A_672 = arith.index_cast %mul3A_665 : i32 to index
        %swap3A_673 = tpu.vector_load %swap3A_670[%swap3A_671, %swap3A_672] {strides = array<i32>} : memref<32x128xf32, #tpu.memory_space<vmem>>, vector<16xf32>,
        tpu.vector_store %swap3A_670[%swap3A_671, %swap3A_672], %gather3A_663 {strides = array<i32>} : memref<32x128xf32, #tpu.memory_space<vmem>>, vector<16xf32>,
        %add3A_674 = arith.constant 26 : i32
        %add3A_675 = vector.broadcast %add3A_674 : i32 to vector<16xi32>
        %add3A_676 = arith.addi %get3A_207, %add3A_675 : vector<16xi32>
        %gather3A_677 = arith.constant 0 : i32
        %gather3A_678 = arith.constant 0 : i32
        %gather3A_679 = tpu.memref_slice %arg8[%select_n3A_144, %gather3A_677, %gather3A_678] : memref<6x128x128xf32, #tpu.memory_space<vmem>> -> memref<1x128x128xf32, #tpu.memory_space<vmem>>
        %gather3A_680 = tpu.memref_squeeze %gather3A_679 : memref<1x128x128xf32, #tpu.memory_space<vmem>> -> memref<128x128xf32, #tpu.memory_space<vmem>>
        %gather3A_681 = tpu.vector_load_idx %gather3A_680[%add3A_202, %add3A_676] : memref<128x128xf32, #tpu.memory_space<vmem>>[vector<16xi32>, vector<16xi32>], vector<16xf32>,
        %mul3A_682 = arith.constant 16 : i32
        %mul3A_683 = arith.muli %scan3A_198, %mul3A_682 : i32
        %swap3A_684 = arith.constant 26 : i32
        %swap3A_685 = arith.constant 0 : i32
        %swap3A_686 = arith.constant 0 : i32
        %swap3A_687 = tpu.memref_slice %arg9[%select_n3A_171, %swap3A_685, %swap3A_686] : memref<2x32x128xf32, #tpu.memory_space<vmem>> -> memref<1x32x128xf32, #tpu.memory_space<vmem>>
        %swap3A_688 = tpu.memref_squeeze %swap3A_687 : memref<1x32x128xf32, #tpu.memory_space<vmem>> -> memref<32x128xf32, #tpu.memory_space<vmem>>
        %swap3A_689 = arith.index_cast %swap3A_684 : i32 to index
        %swap3A_690 = arith.index_cast %mul3A_683 : i32 to index
        %swap3A_691 = tpu.vector_load %swap3A_688[%swap3A_689, %swap3A_690] {strides = array<i32>} : memref<32x128xf32, #tpu.memory_space<vmem>>, vector<16xf32>,
        tpu.vector_store %swap3A_688[%swap3A_689, %swap3A_690], %gather3A_681 {strides = array<i32>} : memref<32x128xf32, #tpu.memory_space<vmem>>, vector<16xf32>,
        %add3A_692 = arith.constant 27 : i32
        %add3A_693 = vector.broadcast %add3A_692 : i32 to vector<16xi32>
        %add3A_694 = arith.addi %get3A_207, %add3A_693 : vector<16xi32>
        %gather3A_695 = arith.constant 0 : i32
        %gather3A_696 = arith.constant 0 : i32
        %gather3A_697 = tpu.memref_slice %arg8[%select_n3A_144, %gather3A_695, %gather3A_696] : memref<6x128x128xf32, #tpu.memory_space<vmem>> -> memref<1x128x128xf32, #tpu.memory_space<vmem>>
        %gather3A_698 = tpu.memref_squeeze %gather3A_697 : memref<1x128x128xf32, #tpu.memory_space<vmem>> -> memref<128x128xf32, #tpu.memory_space<vmem>>
        %gather3A_699 = tpu.vector_load_idx %gather3A_698[%add3A_202, %add3A_694] : memref<128x128xf32, #tpu.memory_space<vmem>>[vector<16xi32>, vector<16xi32>], vector<16xf32>,
        %mul3A_700 = arith.constant 16 : i32
        %mul3A_701 = arith.muli %scan3A_198, %mul3A_700 : i32
        %swap3A_702 = arith.constant 27 : i32
        %swap3A_703 = arith.constant 0 : i32
        %swap3A_704 = arith.constant 0 : i32
        %swap3A_705 = tpu.memref_slice %arg9[%select_n3A_171, %swap3A_703, %swap3A_704] : memref<2x32x128xf32, #tpu.memory_space<vmem>> -> memref<1x32x128xf32, #tpu.memory_space<vmem>>
        %swap3A_706 = tpu.memref_squeeze %swap3A_705 : memref<1x32x128xf32, #tpu.memory_space<vmem>> -> memref<32x128xf32, #tpu.memory_space<vmem>>
        %swap3A_707 = arith.index_cast %swap3A_702 : i32 to index
        %swap3A_708 = arith.index_cast %mul3A_701 : i32 to index
        %swap3A_709 = tpu.vector_load %swap3A_706[%swap3A_707, %swap3A_708] {strides = array<i32>} : memref<32x128xf32, #tpu.memory_space<vmem>>, vector<16xf32>,
        tpu.vector_store %swap3A_706[%swap3A_707, %swap3A_708], %gather3A_699 {strides = array<i32>} : memref<32x128xf32, #tpu.memory_space<vmem>>, vector<16xf32>,
        %add3A_710 = arith.constant 28 : i32
        %add3A_711 = vector.broadcast %add3A_710 : i32 to vector<16xi32>
        %add3A_712 = arith.addi %get3A_207, %add3A_711 : vector<16xi32>
        %gather3A_713 = arith.constant 0 : i32
        %gather3A_714 = arith.constant 0 : i32
        %gather3A_715 = tpu.memref_slice %arg8[%select_n3A_144, %gather3A_713, %gather3A_714] : memref<6x128x128xf32, #tpu.memory_space<vmem>> -> memref<1x128x128xf32, #tpu.memory_space<vmem>>
        %gather3A_716 = tpu.memref_squeeze %gather3A_715 : memref<1x128x128xf32, #tpu.memory_space<vmem>> -> memref<128x128xf32, #tpu.memory_space<vmem>>
        %gather3A_717 = tpu.vector_load_idx %gather3A_716[%add3A_202, %add3A_712] : memref<128x128xf32, #tpu.memory_space<vmem>>[vector<16xi32>, vector<16xi32>], vector<16xf32>,
        %mul3A_718 = arith.constant 16 : i32
        %mul3A_719 = arith.muli %scan3A_198, %mul3A_718 : i32
        %swap3A_720 = arith.constant 28 : i32
        %swap3A_721 = arith.constant 0 : i32
        %swap3A_722 = arith.constant 0 : i32
        %swap3A_723 = tpu.memref_slice %arg9[%select_n3A_171, %swap3A_721, %swap3A_722] : memref<2x32x128xf32, #tpu.memory_space<vmem>> -> memref<1x32x128xf32, #tpu.memory_space<vmem>>
        %swap3A_724 = tpu.memref_squeeze %swap3A_723 : memref<1x32x128xf32, #tpu.memory_space<vmem>> -> memref<32x128xf32, #tpu.memory_space<vmem>>
        %swap3A_725 = arith.index_cast %swap3A_720 : i32 to index
        %swap3A_726 = arith.index_cast %mul3A_719 : i32 to index
        %swap3A_727 = tpu.vector_load %swap3A_724[%swap3A_725, %swap3A_726] {strides = array<i32>} : memref<32x128xf32, #tpu.memory_space<vmem>>, vector<16xf32>,
        tpu.vector_store %swap3A_724[%swap3A_725, %swap3A_726], %gather3A_717 {strides = array<i32>} : memref<32x128xf32, #tpu.memory_space<vmem>>, vector<16xf32>,
        %add3A_728 = arith.constant 29 : i32
        %add3A_729 = vector.broadcast %add3A_728 : i32 to vector<16xi32>
        %add3A_730 = arith.addi %get3A_207, %add3A_729 : vector<16xi32>
        %gather3A_731 = arith.constant 0 : i32
        %gather3A_732 = arith.constant 0 : i32
        %gather3A_733 = tpu.memref_slice %arg8[%select_n3A_144, %gather3A_731, %gather3A_732] : memref<6x128x128xf32, #tpu.memory_space<vmem>> -> memref<1x128x128xf32, #tpu.memory_space<vmem>>
        %gather3A_734 = tpu.memref_squeeze %gather3A_733 : memref<1x128x128xf32, #tpu.memory_space<vmem>> -> memref<128x128xf32, #tpu.memory_space<vmem>>
        %gather3A_735 = tpu.vector_load_idx %gather3A_734[%add3A_202, %add3A_730] : memref<128x128xf32, #tpu.memory_space<vmem>>[vector<16xi32>, vector<16xi32>], vector<16xf32>,
        %mul3A_736 = arith.constant 16 : i32
        %mul3A_737 = arith.muli %scan3A_198, %mul3A_736 : i32
        %swap3A_738 = arith.constant 29 : i32
        %swap3A_739 = arith.constant 0 : i32
        %swap3A_740 = arith.constant 0 : i32
        %swap3A_741 = tpu.memref_slice %arg9[%select_n3A_171, %swap3A_739, %swap3A_740] : memref<2x32x128xf32, #tpu.memory_space<vmem>> -> memref<1x32x128xf32, #tpu.memory_space<vmem>>
        %swap3A_742 = tpu.memref_squeeze %swap3A_741 : memref<1x32x128xf32, #tpu.memory_space<vmem>> -> memref<32x128xf32, #tpu.memory_space<vmem>>
        %swap3A_743 = arith.index_cast %swap3A_738 : i32 to index
        %swap3A_744 = arith.index_cast %mul3A_737 : i32 to index
        %swap3A_745 = tpu.vector_load %swap3A_742[%swap3A_743, %swap3A_744] {strides = array<i32>} : memref<32x128xf32, #tpu.memory_space<vmem>>, vector<16xf32>,
        tpu.vector_store %swap3A_742[%swap3A_743, %swap3A_744], %gather3A_735 {strides = array<i32>} : memref<32x128xf32, #tpu.memory_space<vmem>>, vector<16xf32>,
        %add3A_746 = arith.constant 30 : i32
        %add3A_747 = vector.broadcast %add3A_746 : i32 to vector<16xi32>
        %add3A_748 = arith.addi %get3A_207, %add3A_747 : vector<16xi32>
        %gather3A_749 = arith.constant 0 : i32
        %gather3A_750 = arith.constant 0 : i32
        %gather3A_751 = tpu.memref_slice %arg8[%select_n3A_144, %gather3A_749, %gather3A_750] : memref<6x128x128xf32, #tpu.memory_space<vmem>> -> memref<1x128x128xf32, #tpu.memory_space<vmem>>
        %gather3A_752 = tpu.memref_squeeze %gather3A_751 : memref<1x128x128xf32, #tpu.memory_space<vmem>> -> memref<128x128xf32, #tpu.memory_space<vmem>>
        %gather3A_753 = tpu.vector_load_idx %gather3A_752[%add3A_202, %add3A_748] : memref<128x128xf32, #tpu.memory_space<vmem>>[vector<16xi32>, vector<16xi32>], vector<16xf32>,
        %mul3A_754 = arith.constant 16 : i32
        %mul3A_755 = arith.muli %scan3A_198, %mul3A_754 : i32
        %swap3A_756 = arith.constant 30 : i32
        %swap3A_757 = arith.constant 0 : i32
        %swap3A_758 = arith.constant 0 : i32
        %swap3A_759 = tpu.memref_slice %arg9[%select_n3A_171, %swap3A_757, %swap3A_758] : memref<2x32x128xf32, #tpu.memory_space<vmem>> -> memref<1x32x128xf32, #tpu.memory_space<vmem>>
        %swap3A_760 = tpu.memref_squeeze %swap3A_759 : memref<1x32x128xf32, #tpu.memory_space<vmem>> -> memref<32x128xf32, #tpu.memory_space<vmem>>
        %swap3A_761 = arith.index_cast %swap3A_756 : i32 to index
        %swap3A_762 = arith.index_cast %mul3A_755 : i32 to index
        %swap3A_763 = tpu.vector_load %swap3A_760[%swap3A_761, %swap3A_762] {strides = array<i32>} : memref<32x128xf32, #tpu.memory_space<vmem>>, vector<16xf32>,
        tpu.vector_store %swap3A_760[%swap3A_761, %swap3A_762], %gather3A_753 {strides = array<i32>} : memref<32x128xf32, #tpu.memory_space<vmem>>, vector<16xf32>,
        %add3A_764 = arith.constant 31 : i32
        %add3A_765 = vector.broadcast %add3A_764 : i32 to vector<16xi32>
        %add3A_766 = arith.addi %get3A_207, %add3A_765 : vector<16xi32>
        %gather3A_767 = arith.constant 0 : i32
        %gather3A_768 = arith.constant 0 : i32
        %gather3A_769 = tpu.memref_slice %arg8[%select_n3A_144, %gather3A_767, %gather3A_768] : memref<6x128x128xf32, #tpu.memory_space<vmem>> -> memref<1x128x128xf32, #tpu.memory_space<vmem>>
        %gather3A_770 = tpu.memref_squeeze %gather3A_769 : memref<1x128x128xf32, #tpu.memory_space<vmem>> -> memref<128x128xf32, #tpu.memory_space<vmem>>
        %gather3A_771 = tpu.vector_load_idx %gather3A_770[%add3A_202, %add3A_766] : memref<128x128xf32, #tpu.memory_space<vmem>>[vector<16xi32>, vector<16xi32>], vector<16xf32>,
        %mul3A_772 = arith.constant 16 : i32
        %mul3A_773 = arith.muli %scan3A_198, %mul3A_772 : i32
        %swap3A_774 = arith.constant 31 : i32
        %swap3A_775 = arith.constant 0 : i32
        %swap3A_776 = arith.constant 0 : i32
        %swap3A_777 = tpu.memref_slice %arg9[%select_n3A_171, %swap3A_775, %swap3A_776] : memref<2x32x128xf32, #tpu.memory_space<vmem>> -> memref<1x32x128xf32, #tpu.memory_space<vmem>>
        %swap3A_778 = tpu.memref_squeeze %swap3A_777 : memref<1x32x128xf32, #tpu.memory_space<vmem>> -> memref<32x128xf32, #tpu.memory_space<vmem>>
        %swap3A_779 = arith.index_cast %swap3A_774 : i32 to index
        %swap3A_780 = arith.index_cast %mul3A_773 : i32 to index
        %swap3A_781 = tpu.vector_load %swap3A_778[%swap3A_779, %swap3A_780] {strides = array<i32>} : memref<32x128xf32, #tpu.memory_space<vmem>>, vector<16xf32>,
        tpu.vector_store %swap3A_778[%swap3A_779, %swap3A_780], %gather3A_771 {strides = array<i32>} : memref<32x128xf32, #tpu.memory_space<vmem>>, vector<16xf32>,
      }
      %scan3A_181 = arith.constant 8 : i32
      %mul3A_182 = arith.constant 128 : i32
      %mul3A_183 = arith.muli %scan3A_123, %mul3A_182 : i32
      %dma_start3A_184 = arith.constant 0 : i32
      %dma_start3A_185 = arith.constant 0 : i32
      %dma_start3A_186 = tpu.memref_slice %arg9[%select_n3A_171, %dma_start3A_184, %dma_start3A_185] : memref<2x32x128xf32, #tpu.memory_space<vmem>> -> memref<1x32x128xf32, #tpu.memory_space<vmem>>
      %dma_start3A_187 = tpu.memref_squeeze %dma_start3A_186 : memref<1x32x128xf32, #tpu.memory_space<vmem>> -> memref<32x128xf32, #tpu.memory_space<vmem>>
      %dma_start3A_188 = arith.constant 0 : i32
      %dma_start3A_189 = tpu.memref_slice %arg5[%select_n3A, %select_n3A_30, %dma_start3A_188, %mul3A_183] : memref<4x8x32x4096xf32, #tpu.memory_space<hbm>> -> memref<1x1x32x128xf32, #tpu.memory_space<hbm>>
      %dma_start3A_190 = tpu.memref_squeeze %dma_start3A_189 : memref<1x1x32x128xf32, #tpu.memory_space<hbm>> -> memref<32x128xf32, #tpu.memory_space<hbm>>
      %dma_start3A_191 = arith.constant 0 : i32
      %dma_start3A_192 = tpu.memref_slice %arg5[%select_n3A, %select_n3A_30, %dma_start3A_191, %mul3A_183] : memref<4x8x32x4096xf32, #tpu.memory_space<hbm>> -> memref<1x1x32x128xf32, #tpu.memory_space<hbm>>
      %dma_start3A_193 = tpu.memref_squeeze %dma_start3A_192 : memref<1x1x32x128xf32, #tpu.memory_space<hbm>> -> memref<32x128xf32, #tpu.memory_space<hbm>>
      %dma_start3A_194 = arith.constant 0 : i32
      %dma_start3A_195 = arith.constant 0 : i32
      %dma_start3A_196 = tpu.memref_slice %arg9[%select_n3A_171, %dma_start3A_194, %dma_start3A_195] : memref<2x32x128xf32, #tpu.memory_space<vmem>> -> memref<1x32x128xf32, #tpu.memory_space<vmem>>
      %dma_start3A_197 = tpu.memref_squeeze %dma_start3A_196 : memref<1x32x128xf32, #tpu.memory_space<vmem>> -> memref<32x128xf32, #tpu.memory_space<vmem>>
      tpu.enqueue_dma source(%dma_start3A_197 : memref<32x128xf32, #tpu.memory_space<vmem>>) target(%dma_start3A_193 : memref<32x128xf32, #tpu.memory_space<hbm>>) target_semaphore(%arg12 : memref<!tpu.dma_semaphore, #tpu.memory_space<semaphore_mem>>)
    }
    %scan3A_89 = arith.constant 32 : i32
    %dma_wait3A = arith.constant 0 : i32
    %dma_wait3A_90 = arith.constant 0 : i32
    %dma_wait3A_91 = arith.constant 0 : i32
    %dma_wait3A_92 = tpu.memref_slice %arg9[%dma_wait3A, %dma_wait3A_90, %dma_wait3A_91] : memref<2x32x128xf32, #tpu.memory_space<vmem>> -> memref<1x32x128xf32, #tpu.memory_space<vmem>>
    %dma_wait3A_93 = tpu.memref_squeeze %dma_wait3A_92 : memref<1x32x128xf32, #tpu.memory_space<vmem>> -> memref<32x128xf32, #tpu.memory_space<vmem>>
    %dma_wait3A_94 = arith.constant 0 : i32
    %dma_wait3A_95 = arith.constant 0 : i32
    %dma_wait3A_96 = tpu.memref_slice %arg5[%select_n3A, %select_n3A_30, %dma_wait3A_94, %dma_wait3A_95] : memref<4x8x32x4096xf32, #tpu.memory_space<hbm>> -> memref<1x1x32x128xf32, #tpu.memory_space<hbm>>
    %dma_wait3A_97 = tpu.memref_squeeze %dma_wait3A_96 : memref<1x1x32x128xf32, #tpu.memory_space<hbm>> -> memref<32x128xf32, #tpu.memory_space<hbm>>
    %dma_wait3A_98 = arith.constant 0 : i32
    %dma_wait3A_99 = arith.constant 0 : i32
    %dma_wait3A_100 = tpu.memref_slice %arg5[%select_n3A, %select_n3A_30, %dma_wait3A_98, %dma_wait3A_99] : memref<4x8x32x4096xf32, #tpu.memory_space<hbm>> -> memref<1x1x32x128xf32, #tpu.memory_space<hbm>>
    %dma_wait3A_101 = tpu.memref_squeeze %dma_wait3A_100 : memref<1x1x32x128xf32, #tpu.memory_space<hbm>> -> memref<32x128xf32, #tpu.memory_space<hbm>>
    %dma_wait3A_102 = arith.constant 0 : i32
    %dma_wait3A_103 = arith.constant 0 : i32
    %dma_wait3A_104 = tpu.memref_slice %arg9[%dma_wait3A, %dma_wait3A_102, %dma_wait3A_103] : memref<2x32x128xf32, #tpu.memory_space<vmem>> -> memref<1x32x128xf32, #tpu.memory_space<vmem>>
    %dma_wait3A_105 = tpu.memref_squeeze %dma_wait3A_104 : memref<1x32x128xf32, #tpu.memory_space<vmem>> -> memref<32x128xf32, #tpu.memory_space<vmem>>
    tpu.wait_dma2 semaphore(%arg12 : memref<!tpu.dma_semaphore, #tpu.memory_space<semaphore_mem>>) src(%dma_wait3A_105 : memref<32x128xf32, #tpu.memory_space<vmem>>) dst(%dma_wait3A_101 : memref<32x128xf32, #tpu.memory_space<hbm>>)
    %dma_wait3A_106 = arith.constant 0 : i32
    %dma_wait3A_107 = arith.constant 0 : i32
    %dma_wait3A_108 = arith.constant 0 : i32
    %dma_wait3A_109 = tpu.memref_slice %arg9[%dma_wait3A_106, %dma_wait3A_107, %dma_wait3A_108] : memref<2x32x128xf32, #tpu.memory_space<vmem>> -> memref<1x32x128xf32, #tpu.memory_space<vmem>>
    %dma_wait3A_110 = tpu.memref_squeeze %dma_wait3A_109 : memref<1x32x128xf32, #tpu.memory_space<vmem>> -> memref<32x128xf32, #tpu.memory_space<vmem>>
    %dma_wait3A_111 = arith.constant 0 : i32
    %dma_wait3A_112 = arith.constant 0 : i32
    %dma_wait3A_113 = tpu.memref_slice %arg5[%select_n3A, %select_n3A_30, %dma_wait3A_111, %dma_wait3A_112] : memref<4x8x32x4096xf32, #tpu.memory_space<hbm>> -> memref<1x1x32x128xf32, #tpu.memory_space<hbm>>
    %dma_wait3A_114 = tpu.memref_squeeze %dma_wait3A_113 : memref<1x1x32x128xf32, #tpu.memory_space<hbm>> -> memref<32x128xf32, #tpu.memory_space<hbm>>
    %dma_wait3A_115 = arith.constant 0 : i32
    %dma_wait3A_116 = arith.constant 0 : i32
    %dma_wait3A_117 = tpu.memref_slice %arg5[%select_n3A, %select_n3A_30, %dma_wait3A_115, %dma_wait3A_116] : memref<4x8x32x4096xf32, #tpu.memory_space<hbm>> -> memref<1x1x32x128xf32, #tpu.memory_space<hbm>>
    %dma_wait3A_118 = tpu.memref_squeeze %dma_wait3A_117 : memref<1x1x32x128xf32, #tpu.memory_space<hbm>> -> memref<32x128xf32, #tpu.memory_space<hbm>>
    %dma_wait3A_119 = arith.constant 0 : i32
    %dma_wait3A_120 = arith.constant 0 : i32
    %dma_wait3A_121 = tpu.memref_slice %arg9[%dma_wait3A_106, %dma_wait3A_119, %dma_wait3A_120] : memref<2x32x128xf32, #tpu.memory_space<vmem>> -> memref<1x32x128xf32, #tpu.memory_space<vmem>>
    %dma_wait3A_122 = tpu.memref_squeeze %dma_wait3A_121 : memref<1x32x128xf32, #tpu.memory_space<vmem>> -> memref<32x128xf32, #tpu.memory_space<vmem>>
    tpu.wait_dma2 semaphore(%arg12 : memref<!tpu.dma_semaphore, #tpu.memory_space<semaphore_mem>>) src(%dma_wait3A_122 : memref<32x128xf32, #tpu.memory_space<vmem>>) dst(%dma_wait3A_118 : memref<32x128xf32, #tpu.memory_space<hbm>>)
    return
  }
}

</mosaic_0001>

<sc_bundles>
// kernel: kernel.3.cloned.1.call-start
scs
__scs_entry_jumppad:
0x0: {  	(pc) =	sbr.rel $0x88, $3  }
0x1: {  	(tag) =	ssettag $0x0;
	lr =	simm.s32 $0x1  }
0x2: {  	[smem:$0x3F9E] =	sst lr;
	_ =	strace $0xD0000000  }
0x3: {  	_ = 	snop  }
0x4: {  	_ = 	snop  }
0x5: {  	_ = 	snop  }
0x6: {  	_ = 	snop  }
0x7: {  	_ = 	snop  }
__scs_overlays_trampoline_lowered:
0x8: {  	[smem:$0x3FAD] =	sst s0  }
0x9: {  	[smem:$0x3FAE] =	sst s1  }
0xa: {  	[smem:$0x3FAF] =	sst s2  }
0xb: {  	[smem:$0x3FB0] =	sst s3  }
0xc: {  	[smem:$0x3FB1] =	sst s4  }
0xd: {  	[smem:$0x3FB2] =	sst s5  }
0xe: {  	[smem:$0x3FB3] =	sst s6  }
0xf: {  	[smem:$0x3FB4] =	sst s7  }
0x10: {  	[smem:$0x3FB5] =	sst s8  }
0x11: {  	[smem:$0x3FB6] =	sst s9;
	s0 =	simm.s32 @!p0 $0x0  }
0x12: {  	s1 =	sld [smem:$0x3F9C];
	s0 =	simm.s32 @p0 $0x1  }
0x13: {  	[smem:$0x3FB7] =	sst s0;
	s0 =	simm.s32 @!p1 $0x0  }
0x14: {  	s2 =	sld [smem:$0x3F9B];
	s0 =	simm.s32 @p1 $0x1  }
0x15: {  	[smem:$0x3FB8] =	sst s0;
	s0 =	simm.s32 @!p2 $0x0  }
0x16: {  	s3 =	sld [smem:$0x3FDB];
	s0 =	simm.s32 @p2 $0x1  }
0x17: {  	s4 =	simm.s32 $0x1BF5;
	[smem:$0x3FBA] =	sst s0  }
0x18: {  	s0 =	sld [smem:$0x3F9D];
	_ =	swait.ge [sflag:s4], $0x0  }
0x19: {  	s7 =	sld [smem:$0x3F9E]  }
0x1a: {  	s8 =	sadd.s32 $0xFFFFE003, lr  }
0x1b: {  	s9 =	sadd.s32 $0xFFFFFEF7, lr;
	s5 =	simm.s32 $0xFFFFFFFF;
	p2 =	slt.u32 s8, $0xFFFFF086  }
0x1c: {  	p1 =	slt.u32 s9, $0xF7A;
	s5 =	simm.s32 @!p2 $0x0  }
0x1d: {  	s5 =	simm.s32 @p1 $0x1;
	p0 =	seq.s32 s7, s2  }
0x1e: {  	s7 =	smul.u32 @!p0 $0xF7A, s2;
	p2 =	seq.s32 @!p0 s5, $0x0  }
0x1f: {  	s9 =	smul.u32 $0xF7A, s1;
	s8 =	simm.s32 @!p0 $0x1BF5;
	p2 =	por !p2, p0  }
0x20: {  	[sflag:s8] =	ssyncset.s32 @!p0 $0xFFFFF086;
	s6 =	sadd.s32 @!p0 s3, s7;
	s7 =	simm.s32 @!p0 $0x108  }
0x21: {  	s3 =	sadd.s32 s3, s9;
	s6 =	sadd.s32 @!p0 $0x88, s6;
	s7 =	simm.s32 @p2 $0x1082  }
0x22: {  	[simem:s7], [sflag:s8] =	dma.local @!p0 [hbm:s6], $0xF7A  }
0x23: {  	s9 =	sor.u32 $0xD0000000, s2;
	s6 =	simm.s32 $0x108;
	_ =	swait.ge @!p0 [sflag:s8], $0x0  }
0x24: {  	s3 =	sadd.s32 $0x88, s3;
	s6 =	simm.s32 @!p1 $0x1082;
	[sflag:s4] =	ssyncset.s32 $0xFFFFF086  }
0x25: {  	[simem:s6], [sflag:s4] =	dma.local [hbm:s3], $0xF7A  }
0x26: {  	[smem:$0x3F9E] =	sst s1;
	(tag) =	ssettag s2;
	_ =	strace s9  }
0x27: {  	s1 =	sld [smem:$0x3FAE]  }
0x28: {  	s2 =	sld [smem:$0x3FAF]  }
0x29: {  	s4 =	sld [smem:$0x3FB1]  }
0x2a: {  	p0 =	seq.s32 s5, $0x0;
	s5 =	sld [smem:$0x3FB2]  }
0x2b: {  	s6 =	sld [smem:$0x3FB3]  }
0x2c: {  	s7 =	sld [smem:$0x3FB4]  }
0x2d: {  	s3 =	simm.s32 $0x108;
	s8 =	sld [smem:$0x3FB5]  }
0x2e: {  	s3 =	simm.s32 @!p0 $0x1082;
	s9 =	sld [smem:$0x3FB6]  }
0x2f: {  	lr =	sadd.s32 s0, s3;
	s0 =	sld [smem:$0x3FAD]  }
0x30: {  	s3 =	sld [smem:$0x3FB0]  }
0x31: {  	[smem:$0x3FB9] =	sst s10  }
0x32: {  	s10 =	sld [smem:$0x3FB7];
	_ =	sdelay $0x3  }
0x33: {  	p0 =	seq.s32 s10, $0x1;
	s10 =	sld [smem:$0x3FB9];
	_ =	sdelay $0x3  }
0x34: {  	[smem:$0x3FB9] =	sst s10  }
0x35: {  	s10 =	sld [smem:$0x3FB8];
	_ =	sdelay $0x3  }
0x36: {  	p1 =	seq.s32 s10, $0x1;
	s10 =	sld [smem:$0x3FB9];
	_ =	sdelay $0x3  }
0x37: {  	[smem:$0x3FB9] =	sst s10  }
0x38: {  	s10 =	sld [smem:$0x3FBA]  }
0x39: {  	_ = 	snop;
	(pc) =	sbr.ind lr, $3  }
0x3a: {  	_ = 	snop  }
0x3b: {  	_ = 	snop  }
0x3c: {  	p2 =	seq.s32 s10, $0x1;
	s10 =	sld [smem:$0x3FB9]  }
0x3d: {  	_ =	shalt  }
0x3e: {  	_ =	shalt  }
0x3f: {  	_ =	shalt  }
0x40: {  	_ =	shalt  }
0x41: {  	_ =	shalt  }
0x42: {  	_ =	shalt  }
0x43: {  	_ =	shalt  }
0x44: {  	_ =	shalt  }
0x45: {  	_ =	shalt  }
0x46: {  	_ =	shalt  }
0x47: {  	_ =	shalt  }
0x48: {  	_ =	shalt  }
0x49: {  	_ =	shalt  }
0x4a: {  	_ =	shalt  }
0x4b: {  	_ =	shalt  }
0x4c: {  	_ =	shalt  }
0x4d: {  	_ =	shalt  }
0x4e: {  	_ =	shalt  }
0x4f: {  	_ =	shalt  }
0x50: {  	_ =	shalt  }
0x51: {  	_ =	shalt  }
0x52: {  	_ =	shalt  }
0x53: {  	_ =	shalt  }
0x54: {  	_ =	shalt  }
0x55: {  	_ =	shalt  }
0x56: {  	_ =	shalt  }
0x57: {  	_ =	shalt  }
0x58: {  	_ =	shalt  }
0x59: {  	_ =	shalt  }
0x5a: {  	_ =	shalt  }
0x5b: {  	_ =	shalt  }
0x5c: {  	_ =	shalt  }
0x5d: {  	_ =	shalt  }
0x5e: {  	_ =	shalt  }
0x5f: {  	_ =	shalt  }
0x60: {  	_ =	shalt  }
0x61: {  	_ =	shalt  }
0x62: {  	_ =	shalt  }
0x63: {  	_ =	shalt  }
0x64: {  	_ =	shalt  }
0x65: {  	_ =	shalt  }
0x66: {  	_ =	shalt  }
0x67: {  	_ =	shalt  }
0x68: {  	_ =	shalt  }
0x69: {  	_ =	shalt  }
0x6a: {  	_ =	shalt  }
0x6b: {  	_ =	shalt  }
0x6c: {  	_ =	shalt  }
0x6d: {  	_ =	shalt  }
0x6e: {  	_ =	shalt  }
0x6f: {  	_ =	shalt  }
0x70: {  	_ =	shalt  }
0x71: {  	_ =	shalt  }
0x72: {  	_ =	shalt  }
0x73: {  	_ =	shalt  }
0x74: {  	_ =	shalt  }
0x75: {  	_ =	shalt  }
0x76: {  	_ =	shalt  }
0x77: {  	_ =	shalt  }
0x78: {  	_ =	shalt  }
0x79: {  	_ =	shalt  }
0x7a: {  	_ =	shalt  }
0x7b: {  	_ =	shalt  }
0x7c: {  	_ =	shalt  }
0x7d: {  	_ =	shalt  }
0x7e: {  	_ =	shalt  }
0x7f: {  	_ =	shalt  }
0x80: {  	_ =	shalt  }
0x81: {  	_ =	shalt  }
0x82: {  	_ =	shalt  }
0x83: {  	_ =	shalt  }
0x84: {  	_ =	shalt  }
0x85: {  	_ =	shalt  }
0x86: {  	_ =	shalt  }
0x87: {  	_ =	shalt  }
.Lfunc_end0:
.L_simem_size_0:
called_computation_lowered:
.L_overlay_start_0:
0x88: {  	s2 =	sld [smem:$0x3FD9]  }
0x89: {  	s3 =	sld [smem:$0x3FFE];
	_ =	sdelay $0x1  }
0x8a: {  	s1 =	srdreg.scid  }
0x8b: {  	s0 =	sand.u32 $0x1, s1  }
0x8c: {  	s17 =	sshll.u32 s0, $0xA;
	s2 =	sadd.s32 s3, s2  }
0x8d: {  	s2 =	sadd.s32 s2, s17  }
0x8e: {  	[smem:$0x3FC5] =	sst s2  }
0x8f: {  	_ = 	snop  }
0x90: {  	s2 =	sld [smem:$0x3FD0];
	(tm) =	ssettm $0x1  }
0x91: {  	s18 =	sld [smem:$0x3FFB];
	_ =	sdelay $0x3  }
0x92: {  	_ =	strace s18  }
0x93: {  	s3 =	sld [smem:$0x3FFC];
	_ =	sdelay $0x3  }
0x94: {  	_ =	strace s3  }
0x95: {  	s3 =	sld [smem:$0x3FFD];
	_ =	sdelay $0x3  }
0x96: {  	_ =	strace s3  }
0x97: {  	_ =	strace $0x8FFFFFFF  }
0x98: {  	s19 =	sld [smem:$0x3FDB];
	_ =	sdelay $0x1  }
0x99: {  	s4 =	simm.s32 $_scs_section_size  }
0x9a: {  	s5 =	simm.s32 $_size__tile_overlayer_lowered;
	s6 =	simm.s32 $_tile_overlayer_lowered  }
0x9b: {  	s22 =	simm.s32 $0x1BFF;
	s21 =	sshll.u32 s6, $0x1;
	s3 =	sadd.s32 s4, s19  }
0x9c: {  	s7 =	simm.s32 $0x0;
	s20 =	sshll.u32 s5, $0x1;
	s5 =	sadd.s32 s21, s3  }
0x9d: {  	[timem:s7], [sflag:s22] =	dma.local [hbm:s5], s20  }
0x9e: {  	_ =	swait.ge [sflag:s22], s20  }
0x9f: {  	s4 =	ssub.s32 $0x0, s20;
	[sflag:s22] =	ssyncset.done $0x0  }
0xa0: {  	[sflag:s22] =	ssyncadd.s32 s4;
	_ =	sdelay $0x1  }
0xa1: {  	s23 =	simm.s32 $0x1B8B  }
0xa2: {  	_ =	swait.ge [sflag:s23], $0x1  }
0xa3: {  	[sflag:s23] =	ssyncset.done $0x0  }
0xa4: {  	s25 =	simm.s32 $0x1B8E;
	s24 =	sld [smem:$0x3FFE];
	[sflag:s23] =	ssyncadd.s32 $0xFFFFFFFF  }
0xa5: {  	s26 =	simm.s32 $execute0_lowered;
	[smem:$0x3FD2] =	sst s25  }
0xa6: {  	s5 =	sshll.u32 s26, $0x1;
	_ =	strace $0x80000046;
	[dreg:$0x1] =	wrdreg $0xFFFFFFFF  }
0xa7: {  	s28 =	simm.s32 $_size_execute0_lowered;
	s3 =	sadd.s32 s3, s5;
	[dreg:$0x0] =	wrdreg $0x0  }
0xa8: {  	s5 =	sshll.u32 s28, $0x1;
	[dreg:$0x2] =	wrdreg s3  }
0xa9: {  	[dreg:$0x3] =	wrdreg s5  }
0xaa: {  	[dreg:$0x4] =	wrdreg $0xC0  }
0xab: {  	_ =	task [dreg:s7], $0x5FFFF  }
0xac: {  	[dreg:$0x1] =	wrdreg $0xFFFFFFFF  }
0xad: {  	[dreg:$0x0] =	wrdreg $0x60  }
0xae: {  	[dreg:$0x2] =	wrdreg s24  }
0xaf: {  	[dreg:$0x3] =	wrdreg s2  }
0xb0: {  	[dreg:$0x4] =	wrdreg $0x9  }
0xb1: {  	_ =	task.clear_ibuf [dreg:s7], $0x5FFFF;
	_ =	strace $0x90000046  }
0xb2: {  	s29 =	simm.s32 $0x9;
	_ =	strace $0x80000048  }
0xb3: {  	_ =	swait.ge [sflag:s29], $0x1  }
0xb4: {  	[sflag:s29] =	ssyncadd.s32 $0xFFFFFFFF  }
0xb5: {  	_ =	strace $0x90000048  }
0xb6: {  	_ =	sfence  }
0xb7: {  	s30 =	sld [smem:$0x0];
	_ =	sdelay $0x2  }
0xb8: {  	s31 =	sshll.u32 s1, $0xD;
	s1 =	sshrl.u32 s1, $0x2  }
0xb9: {  	s3 =	sand.u32 $0x4000, s31;
	s1 =	sadd.s32 s1, s30  }
0xba: {  	s0 =	sor.u32 s3, s0;
	s1 =	sshll.u32 s1, $0x11  }
0xbb: {  	s0 =	sor.u32 s1, s0  }
0xbc: {  	s0 =	sadd.s32 $0x8F2B, s0  }
0xbd: {  	[sflag:s0] =	ssyncadd.remote.s32 $0x1  }
0xbe: {  	_ =	sfence.sel $0xFFFF  }
0xbf: {  	[dreg:$0x0] =	wrdreg $0xFFFFFFFF;
	(pc) =	sbr.abs _section_cstart, $3  }
0xc0: {  	[dreg:$0x1] =	wrdreg $0xFFFFFFFF  }
0xc1: {  	_ =	task.clear_ibuf [dreg:s7], $0x2FFFF;
	_ =	strace $0x9FFFFFFF  }
0xc2: {  	(tm) =	ssettm $0x7FFFFFFF  }
0xc3: {  	_ =	shalt  }
tec
execute0_lowered:
.L_overlay_start_1:
0x0: {  	(tag) =	ssettag $0x1  }
0x1: {  	s3 =	rddreg [dreg:$0x0]  }
0x2: {  	s4 =	rddreg [dreg:$0x1]  }
0x3: {  	s0 =	rddreg [dreg:$0x2];
	s2 =	simm.s32 $0x0;
	s1 =	stileid.u32  }
0x4: {  	s5 =	srdreg.scid;
	s11 =	simm.s32 $0x2000;
	s12 =	simm.s32 $0x6000  }
0x5: {  	s13 =	simm.s32 $0x100;
	s14 =	simm.s32 $0xA000;
	s15 =	simm.s32 $0x180  }
0x6: {  	s16 =	simm.s32 $0xE000;
	s17 =	simm.s32 $0x1;
	s18 =	simm.s32 $0x400  }
0x7: {  	s19 =	simm.s32 $0x8000;
	s20 =	simm.s32 $0x2;
	s21 =	simm.s32 $0x0  }
0x8: {  	[smem:$0x7FF] =	sst s2;
	s6 =	sshll.u32 s1, $0x1;
	s7 =	sshrl.u32 s1, $0x2  }
0x9: {  	s5 =	sand.u32 $0x1, s5;
	s6 =	sand.u32 $0x6, s6;
	_ =	strace $0x80000047  }
0xa: {  	s8 =	sshll.u32 s7, $0xC;
	s7 =	sshll.u32 s7, $0x11;
	s6 =	sor.u32 s5, s6  }
0xb: {  	s8 =	sadd.s32 s8, s3;
	s5 =	ssub.s32 $0x2, s5;
	s7 =	sadd.s32 s4, s7  }
0xc: {  	s9 =	sshll.u32 s6, $0x4;
	s10 =	sshrl.u32 s5, $0x1;
	s31 =	sshll.u32 s6, $0x9  }
0xd: {  	s6 =	sshll.u32 s6, $0xE;
	s9 =	sadd.s32 s9, s3;
	s3 =	sadd.s32 $0xC37A00, s3  }
0xe: {  	s10 =	ssub.s32 s5, s10;
	s5 =	sadd.s32 s31, s8;
	s6 =	sadd.s32 s6, s7  }
0xf: {  	v2 =	vlaneseq.u32;
	s8 =	simm.s32 $0x1C000;
	s4 =	sadd.s32 $0x4800, s9;
	s5 =	sadd.s32 $0x800, s5  }
0x10: {  	v0 =	vimm.s32 $0x0;
	v1 =	vimm.s32 $0xFFFFFFFC;
	v2 =	vmul.u32 $0x80, v2;
	s7 =	smax.u32 s10, $0x1;
	s9 =	simm.s32 $0x3;
	s10 =	simm.s32 $0x80  }
.LBB2_1:
0x11: {  	[tilespmem:s8], [sflag:$0x3] =	stream.linear.gather [hbm4b:s4+s2], $0x80, $0x38;
	[tilespmem:$0x1C080] =	vst v63  }
0x12: {  	_ =	swait.ge [sflag:s9], $0x80  }
0x13: {  	[sflag:s9] =	ssyncset.done $0x0  }
0x14: {  	[sflag:s9] =	ssyncadd.s32 $0xFFFFFF80  }
0x15: {  	[tilespmem:s2], [sflag:$0x3] =	stream.linear.gather [hbm4b:s5+s2], $0x1000, $0x38;
	[tilespmem:$0x1C080] =	vst v63  }
0x16: {  	_ =	swait.ge [sflag:s9], $0x1000  }
0x17: {  	[sflag:s9] =	ssyncset.done $0x0  }
0x18: {  	[sflag:s9] =	ssyncadd.s32 $0xFFFFF000  }
0x19: {  	s22 =	simm.s32 $0x0;
	v3 =	vld [tilespmem:$0x1C000]  }
0x1a: {  	v4 =	vld [tilespmem:s22+$0x0];
	_ =	sdelay $0x1  }
0x1b: {  	v5 =	vld [tilespmem:s22+$0x10];
	_ =	sdelay $0x2  }
0x1c: {  	v6 =	vadd.s32 v3, v4  }
0x1d: {  	v4 =	vshra.s32 v6, $0x1F  }
0x1e: {  	v8 =	vadd.s32 v3, v5;
	v4 =	vshrl.u32 v4, $0x1E  }
0x1f: {  	v9 =	vld [tilespmem:s22+$0x20];
	v10 =	vshra.s32 v8, $0x1F;
	v4 =	vadd.s32 v4, v6  }
0x20: {  	v10 =	vshrl.u32 v10, $0x1E;
	v7 =	vshra.s32 v4, $0x2  }
0x21: {  	vm0 =	vlt.s32 v6, $0x1;
	v10 =	vadd.s32 v10, v8;
	v5 =	vshll.u32 v7, $0x2  }
0x22: {  	v11 =	vld [tilespmem:s22+$0x30];
	vm1 =	vne.s32 v6, v5;
	v5 =	vsub.s32 v6, v5;
	v6 =	vand.u32 $0xFFFFFFFC, v10  }
0x23: {  	v4 =	vsub.s32 v8, v1;
	vm0 =	vmand vm0, vm1;
	vm1 =	vne.s32 v8, v6  }
0x24: {  	v6 =	vadd.s32 v3, v9;
	v12 =	vsel vm0, $0xFFFFFFFF, v0;
	vm0 =	vlt.s32 v8, $0x1  }
0x25: {  	v9 =	vadd.s32 v12, v7;
	vm0 =	vmand vm0, vm1;
	v7 =	vshra.s32 v6, $0x1F  }
0x26: {  	v10 =	vshra.s32 v10, $0x2;
	v12 =	vsel vm0, $0xFFFFFFFF, v0;
	v7 =	vshrl.u32 v7, $0x1E  }
0x27: {  	v8 =	vld [tilespmem:s22+$0x40];
	v10 =	vadd.s32 v12, v10;
	v12 =	vadd.s32 v7, v6;
	v7 =	vadd.s32 v3, v11  }
0x28: {  	v11 =	vand.u32 $0xFFFFFFFC, v12;
	v13 =	vshra.s32 v7, $0x1F  }
0x29: {  	vm1 =	vne.s32 v6, v11;
	v11 =	vshrl.u32 v13, $0x1E  }
0x2a: {  	v13 =	vadd.s32 v11, v7  }
0x2b: {  	vm0 =	vlt.s32 v6, $0x1;
	v14 =	vshra.s32 v12, $0x2;
	v12 =	vand.u32 $0xFFFFFFFC, v13  }
0x2c: {  	v8 =	vadd.s32 v3, v8;
	vm0 =	vmand vm0, vm1;
	vm1 =	vne.s32 v7, v12;
	v12 =	vld [tilespmem:s22+$0x50]  }
0x2d: {  	v5 =	vshll.u32 v5, $0x5;
	v15 =	vshra.s32 v8, $0x1F  }
0x2e: {  	v11 =	vsel vm0, $0xFFFFFFFF, v0;
	vm0 =	vlt.s32 v7, $0x1;
	v15 =	vshrl.u32 v15, $0x1E  }
0x2f: {  	s23 =	simm.s32 $0x200;
	v11 =	vadd.s32 v11, v14;
	v14 =	vadd.s32 v15, v8;
	vm0 =	vmand vm0, vm1  }
.LBB2_2:
0x30: {  	p0 =	sne.s32 s23, $0x3E00;
	v13 =	vshra.s32 v13, $0x2;
	v15 =	vsel vm0, $0xFFFFFFFF, v0;
	v16 =	vand.u32 $0xFFFFFFFC, v14;
	v17 =	vld [tilespmem:s22+$0x60]  }
0x31: {  	vm0 =	vlt.s32 v8, $0x1;
	vm1 =	vne.s32 v8, v16;
	v12 =	vadd.s32 v3, v12;
	v16 =	vld [tilespmem:s22+$0x70]  }
0x32: {  	v13 =	vadd.s32 v15, v13;
	vm0 =	vmand vm0, vm1;
	v15 =	vshra.s32 v12, $0x1F  }
0x33: {  	v14 =	vshra.s32 v14, $0x2;
	v18 =	vsel vm0, $0xFFFFFFFF, v0;
	v15 =	vshrl.u32 v15, $0x1E  }
0x34: {  	vm0 =	vlt.s32 v12, $0x1;
	v14 =	vadd.s32 v18, v14;
	v15 =	vadd.s32 v15, v12  }
0x35: {  	v18 =	vshra.s32 v15, $0x2;
	v15 =	vand.u32 $0xFFFFFFFC, v15;
	v17 =	vadd.s32 v3, v17  }
0x36: {  	vm1 =	vne.s32 v12, v15;
	v15 =	vshra.s32 v17, $0x1F;
	v16 =	vadd.s32 v3, v16  }
0x37: {  	vm0 =	vmand vm0, vm1;
	v15 =	vshrl.u32 v15, $0x1E;
	v19 =	vshra.s32 v16, $0x1F  }
0x38: {  	[tilespmem:s22+$0x0] =	vst v9;
	v9 =	vsel vm0, $0xFFFFFFFF, v0;
	v15 =	vadd.s32 v15, v17;
	v19 =	vshrl.u32 v19, $0x1E  }
0x39: {  	[tilespmem:s22+$0x10] =	vst v10;
	v9 =	vadd.s32 v9, v18;
	v10 =	vand.u32 $0xFFFFFFFC, v15;
	v18 =	vadd.s32 v19, v16  }
0x3a: {  	vm0 =	vlt.s32 v17, $0x1;
	[tilespmem:s22+$0x20] =	vst v11;
	vm1 =	vne.s32 v17, v10;
	v10 =	vand.u32 $0xFFFFFFFC, v18  }
0x3b: {  	[tilespmem:s22+$0x30] =	vst v13;
	vm0 =	vmand vm0, vm1;
	vm1 =	vlt.s32 v16, $0x1;
	vm2 =	vne.s32 v16, v10  }
0x3c: {  	v10 =	vshra.s32 v15, $0x2;
	[tilespmem:s22+$0x40] =	vst v14;
	v11 =	vsel vm0, $0xFFFFFFFF, v0;
	vm0 =	vmand vm1, vm2  }
0x3d: {  	s24 =	sshra.s32 s23, $0x2;
	[tilespmem:s22+$0x50] =	vst v9;
	v9 =	vadd.s32 v11, v10;
	v10 =	vshra.s32 v18, $0x2;
	v11 =	vsel vm0, $0xFFFFFFFF, v0  }
0x3e: {  	v6 =	vsub.s32 v6, v1;
	v7 =	vsub.s32 v7, v1;
	v13 =	vld [tilespmem:s24+$0x0];
	[tilespmem:s22+$0x60] =	vst v9;
	v9 =	vadd.s32 v11, v10  }
0x3f: {  	v8 =	vsub.s32 v8, v1;
	v10 =	vsub.s32 v12, v1;
	v11 =	vsub.s32 v17, v1;
	[tilespmem:s22+$0x70] =	vst v9  }
0x40: {  	v4 =	vshll.u32 v4, $0x5;
	v6 =	vshll.u32 v6, $0x5;
	v9 =	vsub.s32 v16, v1  }
0x41: {  	v7 =	vshll.u32 v7, $0x5;
	v8 =	vshll.u32 v8, $0x5;
	v10 =	vshll.u32 v10, $0x5  }
0x42: {  	v5 =	vand.u32 $0x60, v5;
	v11 =	vshll.u32 v11, $0x5;
	v9 =	vshll.u32 v9, $0x5;
	v12 =	vld [tilespmem:s24+$0x10]  }
0x43: {  	v4 =	vand.u32 $0x60, v4;
	v13 =	vadd.s32 v3, v13;
	[tilespmem:s22+$0x1000] =	vst v5;
	v5 =	vand.u32 $0x60, v6  }
0x44: {  	v6 =	vshra.s32 v13, $0x1F;
	[tilespmem:s22+$0x1010] =	vst v4;
	v4 =	vand.u32 $0x60, v7;
	v7 =	vand.u32 $0x60, v8  }
0x45: {  	v8 =	vand.u32 $0x60, v11;
	v6 =	vshrl.u32 v6, $0x1E;
	[tilespmem:s22+$0x1020] =	vst v5;
	v5 =	vand.u32 $0x60, v10  }
0x46: {  	v9 =	vand.u32 $0x60, v9;
	v6 =	vadd.s32 v6, v13;
	[tilespmem:s22+$0x1030] =	vst v4  }
0x47: {  	v10 =	vshra.s32 v6, $0x2;
	v6 =	vadd.s32 v3, v12;
	v11 =	vld [tilespmem:s24+$0x20];
	[tilespmem:s22+$0x1040] =	vst v7  }
0x48: {  	v7 =	vshll.u32 v10, $0x2;
	v12 =	vshra.s32 v6, $0x1F;
	v4 =	vsub.s32 v6, v1;
	[tilespmem:s22+$0x1050] =	vst v5  }
0x49: {  	vm0 =	vlt.s32 v13, $0x1;
	vm1 =	vne.s32 v13, v7;
	v5 =	vshrl.u32 v12, $0x1E;
	[tilespmem:s22+$0x1060] =	vst v8  }
0x4a: {  	v7 =	vsub.s32 v13, v7;
	vm0 =	vmand vm0, vm1;
	v8 =	vadd.s32 v5, v6;
	v12 =	vld [tilespmem:s24+$0x30];
	[tilespmem:s22+$0x1070] =	vst v9;
	s22 =	smov.u32 s24  }
0x4b: {  	v5 =	vshll.u32 v7, $0x5;
	v9 =	vsel vm0, $0xFFFFFFFF, v0;
	v7 =	vand.u32 $0xFFFFFFFC, v8  }
0x4c: {  	vm0 =	vlt.s32 v6, $0x1;
	vm1 =	vne.s32 v6, v7;
	v6 =	vadd.s32 v3, v11  }
0x4d: {  	v9 =	vadd.s32 v9, v10;
	vm0 =	vmand vm0, vm1;
	v7 =	vshra.s32 v6, $0x1F;
	v11 =	vld [tilespmem:s22+$0x40]  }
0x4e: {  	v8 =	vshra.s32 v8, $0x2;
	v10 =	vsel vm0, $0xFFFFFFFF, v0;
	v7 =	vshrl.u32 v7, $0x1E  }
0x4f: {  	v10 =	vadd.s32 v10, v8;
	v8 =	vadd.s32 v7, v6;
	v7 =	vadd.s32 v3, v12  }
0x50: {  	vm0 =	vlt.s32 v6, $0x1;
	v12 =	vand.u32 $0xFFFFFFFC, v8;
	v13 =	vshra.s32 v7, $0x1F  }
.Ltmp0:
0x51: {  	v14 =	vshra.s32 v8, $0x2;
	vm1 =	vne.s32 v6, v12;
	v8 =	vshrl.u32 v13, $0x1E;
	(pc) =	sbr.rel @p0 .LBB2_2-.Ltmp0, $4  }
0x52: {  	vm0 =	vmand vm0, vm1;
	v13 =	vadd.s32 v8, v7;
	v8 =	vadd.s32 v3, v11;
	v12 =	vld [tilespmem:s22+$0x50]  }
0x53: {  	v11 =	vsel vm0, $0xFFFFFFFF, v0;
	v15 =	vand.u32 $0xFFFFFFFC, v13;
	v16 =	vshra.s32 v8, $0x1F  }
0x54: {  	vm0 =	vlt.s32 v7, $0x1;
	vm1 =	vne.s32 v7, v15;
	v15 =	vshrl.u32 v16, $0x1E  }
0x55: {  	s23 =	sadd.s32 $0x200, s23;
	v11 =	vadd.s32 v11, v14;
	vm0 =	vmand vm0, vm1;
	v14 =	vadd.s32 v15, v8  }
0x56: {  	v13 =	vshra.s32 v13, $0x2;
	v15 =	vsel vm0, $0xFFFFFFFF, v0;
	v16 =	vand.u32 $0xFFFFFFFC, v14  }
0x57: {  	vm9 =	vlt.s32 v8, $0x1;
	v48 =	vshra.s32 v14, $0x2;
	v6 =	vsub.s32 v6, v1  }
0x58: {  	v4 =	vshll.u32 v4, $0x5;
	v5 =	vand.u32 $0x60, v5;
	v7 =	vsub.s32 v7, v1  }
0x59: {  	v60 =	vsub.s32 v8, v1;
	vm1 =	vne.s32 v8, v16;
	v12 =	vadd.s32 v3, v12  }
0x5a: {  	v13 =	vadd.s32 v15, v13;
	v6 =	vshll.u32 v6, $0x5;
	v4 =	vand.u32 $0x60, v4  }
0x5b: {  	v17 =	vld [tilespmem:s22+$0x60];
	[tilespmem:s22+$0x1000] =	vst v5;
	v7 =	vshll.u32 v7, $0x5;
	v5 =	vshll.u32 v60, $0x5;
	vm0 =	vmand vm9, vm1  }
0x5c: {  	v46 =	vld [tilespmem:s22+$0x70];
	v47 =	vshra.s32 v12, $0x1F;
	vm10 =	vlt.s32 v12, $0x1;
	v6 =	vand.u32 $0x60, v6  }
0x5d: {  	v61 =	vsub.s32 v12, v1;
	v7 =	vand.u32 $0x60, v7;
	v5 =	vand.u32 $0x60, v5  }
0x5e: {  	[tilespmem:s22+$0x1010] =	vst v4;
	v18 =	vsel vm0, $0xFFFFFFFF, v0;
	v15 =	vshrl.u32 v47, $0x1E;
	v4 =	vshll.u32 v61, $0x5  }
0x5f: {  	[tilespmem:s22+$0x0] =	vst v9;
	v14 =	vadd.s32 v18, v48;
	v15 =	vadd.s32 v15, v12;
	v4 =	vand.u32 $0x60, v4  }
0x60: {  	[tilespmem:s22+$0x10] =	vst v10;
	v49 =	vshra.s32 v15, $0x2;
	v15 =	vand.u32 $0xFFFFFFFC, v15;
	v17 =	vadd.s32 v3, v17  }
0x61: {  	[tilespmem:s22+$0x20] =	vst v11;
	v3 =	vadd.s32 v3, v46;
	vm11 =	vne.s32 v12, v15;
	v50 =	vshra.s32 v17, $0x1F  }
0x62: {  	[tilespmem:s22+$0x30] =	vst v13;
	v16 =	vshra.s32 v3, $0x1F;
	vm12 =	vlt.s32 v17, $0x1;
	vm14 =	vlt.s32 v3, $0x1  }
0x63: {  	[tilespmem:s22+$0x1020] =	vst v6;
	v62 =	vsub.s32 v17, v1;
	vm0 =	vmand vm10, vm11;
	v15 =	vshrl.u32 v50, $0x1E  }
0x64: {  	[tilespmem:s22+$0x1030] =	vst v7;
	v16 =	vshrl.u32 v16, $0x1E;
	v6 =	vshll.u32 v62, $0x5;
	v51 =	vsel vm0, $0xFFFFFFFF, v0  }
0x65: {  	[tilespmem:s22+$0x1040] =	vst v5;
	v15 =	vadd.s32 v15, v17;
	v16 =	vadd.s32 v16, v3;
	v63 =	vand.u32 $0x60, v6  }
0x66: {  	[tilespmem:s22+$0x40] =	vst v14;
	v9 =	vadd.s32 v51, v49;
	v52 =	vand.u32 $0xFFFFFFFC, v15;
	v53 =	vand.u32 $0xFFFFFFFC, v16  }
0x67: {  	[tilespmem:s22+$0x1050] =	vst v4;
	vm13 =	vne.s32 v17, v52;
	vm2 =	vne.s32 v3, v53;
	v3 =	vsub.s32 v3, v1  }
0x68: {  	v54 =	vshra.s32 v15, $0x2;
	[tilespmem:s22+$0x1060] =	vst v63;
	vm0 =	vmand vm12, vm13;
	v3 =	vshll.u32 v3, $0x5  }
0x69: {  	[tilespmem:s22+$0x50] =	vst v9;
	vm15 =	vmand vm14, vm2;
	v55 =	vsel vm0, $0xFFFFFFFF, v0;
	v3 =	vand.u32 $0x60, v3  }
0x6a: {  	v57 =	vshra.s32 v16, $0x2;
	v58 =	vsel vm15, $0xFFFFFFFF, v0;
	v56 =	vadd.s32 v55, v54;
	[tilespmem:s22+$0x1070] =	vst v3  }
0x6b: {  	v59 =	vadd.s32 v58, v57;
	[tilespmem:s22+$0x60] =	vst v56  }
0x6c: {  	[tilespmem:s22+$0x70] =	vst v59;
	s22 =	simm.s32 $0x0  }
0x6d: {  	[tilespmem:s11], [sflag:$0x1] =	stream.indirect.gather [hbm4b:s3+s10], $0x80, s22, s10, $0xb8;
	[tilespmem:$0x1C080] =	vst v63  }
0x6e: {  	_ = 	snop  }
0x6f: {  	[tilespmem:s12], [sflag:$0x1] =	stream.indirect.gather [hbm4b:s3+s10], $0x80, s10, s10, $0xb8;
	[tilespmem:$0x1C080] =	vst v63  }
0x70: {  	_ = 	snop  }
0x71: {  	[tilespmem:s14], [sflag:$0x1] =	stream.indirect.gather [hbm4b:s3+s10], $0x80, s13, s10, $0xb8;
	[tilespmem:$0x1C080] =	vst v63  }
0x72: {  	s23 =	simm.s32 $0x1000;
	p0 =	por $0x0, $0x0;
	s24 =	simm.s32 $0x0  }
0x73: {  	[tilespmem:s16], [sflag:$0x1] =	stream.indirect.gather [hbm4b:s3+s10], $0x80, s15, s10, $0xb8;
	[tilespmem:$0x1C080] =	vst v63  }
.LBB2_4:
0x74: {  	p1 =	sgt.u32 s24, $0x1B  }
0x75: {  	s25 =	sadd.s32 @!p1 $0x4, s24  }
0x76: {  	s26 =	smul.u32 @!p1 $0xAB, s25;
	_ =	sdelay $0x1  }
0x77: {  	s26 =	sshrl.u32 @!p1 s26, $0xA  }
0x78: {  	s26 =	sand.u32 @!p1 $0x3F, s26  }
0x79: {  	s26 =	smul.u32 @!p1 $0x6, s26;
	_ =	sdelay $0x1  }
0x7a: {  	s26 =	ssub.s32 @!p1 s25, s26  }
0x7b: {  	s26 =	sand.u32 @!p1 $0xFF, s26  }
0x7c: {  	s25 =	sshll.u32 @!p1 s25, $0x7;
	s26 =	sshll.u32 @!p1 s26, $0xE  }
0x7d: {  	s28 =	simm.s32 @!p1 $0x80;
	s25 =	sand.u32 @!p1 $0x3FFFFF80, s25;
	s26 =	sor.u32 @!p1 $0x2000, s26  }
0x7e: {  	[tilespmem:s26], [sflag:$0x1] =	stream.indirect.gather @!p1 [hbm4b:s3+s28], $0x80, s25, s28, $0xb8;
	[tilespmem:$0x1C080] =	vst v63  }
0x7f: {  	_ =	swait.ge [sflag:s17], $0x4000  }
0x80: {  	p1 =	slt.u32 s24, $0x2;
	[sflag:s17] =	ssyncset.done $0x0  }
0x81: {  	s25 =	simm.s32 @!p1 $0x2;
	[sflag:s17] =	ssyncadd.s32 $0xFFFFC000  }
0x82: {  	_ =	swait.ge @!p1 [sflag:s25], $0x1000  }
0x83: {  	[sflag:s25] =	ssyncset.done @!p1 $0x0  }
0x84: {  	[sflag:s25] =	ssyncadd.s32 @!p1 $0xFFFFF000  }
0x85: {  	v3 =	vld [tilespmem:s23+$0x0];
	_ =	sdelay $0x1  }
0x86: {  	s31 =	smul.u32 $0xAB, s24  }
0x87: {  	v4 =	vmov s22  }
0x88: {  	v4 =	vshll.u32 v4, $0x7;
	s25 =	sshrl.u32 s31, $0xA  }
0x89: {  	v4 =	vor.u32 v2, v4;
	s25 =	sand.u32 $0x3F, s25;
	v5 =	vand.u32 $0xFFFFFF80, v3  }
0x8a: {  	s25 =	smul.u32 $0x6, s25;
	v6 =	vand.u32 $0x7F, v3;
	v5 =	vadd.s32 v4, v5  }
0x8b: {  	v5 =	vor.u32 v6, v5  }
0x8c: {  	s25 =	ssub.s32 s24, s25  }
0x8d: {  	s25 =	sand.u32 $0xFF, s25  }
0x8e: {  	s25 =	sshll.u32 s25, $0xE;
	v43 =	vadd.s32 $0x1, v3  }
0x8f: {  	s25 =	sor.u32 $0x2000, s25;
	v7 =	vand.u32 $0xFFFFFF80, v43  }
0x90: {  	v7 =	vadd.s32 v4, v7;
	v6 =	vand.u32 $0x7F, v43;
	v5 =	vld.idx.msk [tilespmem:v5+s25+$0x0], $0xffff  }
0x91: {  	s26 =	simm.s32 $0x1;
	v6 =	vor.u32 v6, v7  }
0x92: {  	s26 =	simm.s32 @!p0 $0x0  }
0x93: {  	s26 =	sshll.u32 s26, $0xC  }
0x94: {  	s26 =	sor.u32 $0x1A800, s26;
	v44 =	vadd.s32 $0x2, v3  }
0x95: {  	v8 =	vand.u32 $0xFFFFFF80, v44;
	[tilespmem:s26+$0xFFFFF800] =	vst v5  }
0x96: {  	v7 =	vand.u32 $0x7F, v44;
	v5 =	vadd.s32 v4, v8;
	v6 =	vld.idx.msk [tilespmem:v6+s25+$0x0], $0xffff  }
0x97: {  	v5 =	vor.u32 v7, v5;
	_ =	sdelay $0x2  }
0x98: {  	v45 =	vadd.s32 $0x3, v3  }
0x99: {  	v46 =	vand.u32 $0xFFFFFF80, v45;
	[tilespmem:s26+$0xFFFFF880] =	vst v6  }
0x9a: {  	v47 =	vadd.s32 v4, v46;
	v7 =	vand.u32 $0x7F, v45;
	v5 =	vld.idx.msk [tilespmem:v5+s25+$0x0], $0xffff  }
0x9b: {  	v6 =	vor.u32 v7, v47;
	_ =	sdelay $0x2  }
0x9c: {  	v48 =	vadd.s32 $0x4, v3  }
0x9d: {  	v49 =	vand.u32 $0xFFFFFF80, v48;
	[tilespmem:s26+$0xFFFFF900] =	vst v5  }
0x9e: {  	v7 =	vand.u32 $0x7F, v48;
	v5 =	vadd.s32 v4, v49;
	v6 =	vld.idx.msk [tilespmem:v6+s25+$0x0], $0xffff  }
0x9f: {  	v5 =	vor.u32 v7, v5;
	_ =	sdelay $0x2  }
0xa0: {  	v50 =	vadd.s32 $0x5, v3  }
0xa1: {  	v51 =	vand.u32 $0xFFFFFF80, v50;
	[tilespmem:s26+$0xFFFFF980] =	vst v6  }
0xa2: {  	v52 =	vadd.s32 v4, v51;
	v7 =	vand.u32 $0x7F, v50;
	v5 =	vld.idx.msk [tilespmem:v5+s25+$0x0], $0xffff  }
0xa3: {  	v6 =	vor.u32 v7, v52;
	_ =	sdelay $0x2  }
0xa4: {  	v53 =	vadd.s32 $0x6, v3  }
0xa5: {  	v54 =	vand.u32 $0xFFFFFF80, v53;
	[tilespmem:s26+$0xFFFFFA00] =	vst v5  }
0xa6: {  	v7 =	vand.u32 $0x7F, v53;
	v5 =	vadd.s32 v4, v54;
	v6 =	vld.idx.msk [tilespmem:v6+s25+$0x0], $0xffff  }
0xa7: {  	v5 =	vor.u32 v7, v5;
	_ =	sdelay $0x2  }
0xa8: {  	v55 =	vadd.s32 $0x7, v3  }
0xa9: {  	v56 =	vand.u32 $0xFFFFFF80, v55;
	[tilespmem:s26+$0xFFFFFA80] =	vst v6  }
0xaa: {  	v57 =	vadd.s32 v4, v56;
	v7 =	vand.u32 $0x7F, v55;
	v5 =	vld.idx.msk [tilespmem:v5+s25+$0x0], $0xffff  }
0xab: {  	v6 =	vor.u32 v7, v57;
	_ =	sdelay $0x2  }
0xac: {  	v58 =	vadd.s32 $0x8, v3  }
0xad: {  	v59 =	vand.u32 $0xFFFFFF80, v58;
	[tilespmem:s26+$0xFFFFFB00] =	vst v5  }
0xae: {  	v7 =	vand.u32 $0x7F, v58;
	v5 =	vadd.s32 v4, v59;
	v6 =	vld.idx.msk [tilespmem:v6+s25+$0x0], $0xffff  }
0xaf: {  	v5 =	vor.u32 v7, v5;
	_ =	sdelay $0x2  }
0xb0: {  	v60 =	vadd.s32 $0x9, v3  }
0xb1: {  	v61 =	vand.u32 $0xFFFFFF80, v60;
	[tilespmem:s26+$0xFFFFFB80] =	vst v6  }
0xb2: {  	v62 =	vadd.s32 v4, v61;
	v7 =	vand.u32 $0x7F, v60;
	v5 =	vld.idx.msk [tilespmem:v5+s25+$0x0], $0xffff  }
0xb3: {  	v6 =	vor.u32 v7, v62;
	_ =	sdelay $0x2  }
0xb4: {  	v63 =	vadd.s32 $0xA, v3  }
0xb5: {  	v12 =	vand.u32 $0xFFFFFF80, v63;
	[tilespmem:s26+$0xFFFFFC00] =	vst v5  }
0xb6: {  	v7 =	vand.u32 $0x7F, v63;
	v5 =	vadd.s32 v4, v12;
	v6 =	vld.idx.msk [tilespmem:v6+s25+$0x0], $0xffff  }
0xb7: {  	v5 =	vor.u32 v7, v5;
	_ =	sdelay $0x2  }
0xb8: {  	v13 =	vadd.s32 $0xB, v3  }
0xb9: {  	v14 =	vand.u32 $0xFFFFFF80, v13;
	[tilespmem:s26+$0xFFFFFC80] =	vst v6  }
0xba: {  	v15 =	vadd.s32 v4, v14;
	v7 =	vand.u32 $0x7F, v13;
	v5 =	vld.idx.msk [tilespmem:v5+s25+$0x0], $0xffff  }
0xbb: {  	v6 =	vor.u32 v7, v15;
	_ =	sdelay $0x2  }
0xbc: {  	v16 =	vadd.s32 $0xC, v3  }
0xbd: {  	v17 =	vand.u32 $0xFFFFFF80, v16;
	[tilespmem:s26+$0xFFFFFD00] =	vst v5  }
0xbe: {  	v7 =	vand.u32 $0x7F, v16;
	v5 =	vadd.s32 v4, v17;
	v6 =	vld.idx.msk [tilespmem:v6+s25+$0x0], $0xffff  }
0xbf: {  	v5 =	vor.u32 v7, v5;
	_ =	sdelay $0x2  }
0xc0: {  	v18 =	vadd.s32 $0xD, v3  }
0xc1: {  	v19 =	vand.u32 $0xFFFFFF80, v18;
	[tilespmem:s26+$0xFFFFFD80] =	vst v6  }
0xc2: {  	v20 =	vadd.s32 v4, v19;
	v7 =	vand.u32 $0x7F, v18;
	v5 =	vld.idx.msk [tilespmem:v5+s25+$0x0], $0xffff  }
0xc3: {  	v6 =	vor.u32 v7, v20;
	_ =	sdelay $0x2  }
0xc4: {  	v21 =	vadd.s32 $0xE, v3  }
0xc5: {  	v22 =	vand.u32 $0xFFFFFF80, v21;
	[tilespmem:s26+$0xFFFFFE00] =	vst v5  }
0xc6: {  	v7 =	vand.u32 $0x7F, v21;
	v5 =	vadd.s32 v4, v22;
	v6 =	vld.idx.msk [tilespmem:v6+s25+$0x0], $0xffff  }
0xc7: {  	v5 =	vor.u32 v7, v5;
	_ =	sdelay $0x2  }
0xc8: {  	v23 =	vadd.s32 $0xF, v3  }
0xc9: {  	v24 =	vand.u32 $0xFFFFFF80, v23;
	[tilespmem:s26+$0xFFFFFE80] =	vst v6  }
0xca: {  	v25 =	vadd.s32 v4, v24;
	v7 =	vand.u32 $0x7F, v23;
	v5 =	vld.idx.msk [tilespmem:v5+s25+$0x0], $0xffff  }
0xcb: {  	v6 =	vor.u32 v7, v25;
	_ =	sdelay $0x2  }
0xcc: {  	v26 =	vadd.s32 $0x10, v3  }
0xcd: {  	v27 =	vand.u32 $0xFFFFFF80, v26;
	[tilespmem:s26+$0xFFFFFF00] =	vst v5  }
0xce: {  	v7 =	vand.u32 $0x7F, v26;
	v5 =	vadd.s32 v4, v27;
	v6 =	vld.idx.msk [tilespmem:v6+s25+$0x0], $0xffff  }
0xcf: {  	v5 =	vor.u32 v7, v5;
	_ =	sdelay $0x2  }
0xd0: {  	v28 =	vadd.s32 $0x11, v3  }
0xd1: {  	v29 =	vand.u32 $0xFFFFFF80, v28;
	[tilespmem:s26+$0xFFFFFF80] =	vst v6  }
0xd2: {  	v30 =	vadd.s32 v4, v29;
	v7 =	vand.u32 $0x7F, v28;
	v5 =	vld.idx.msk [tilespmem:v5+s25+$0x0], $0xffff  }
0xd3: {  	v6 =	vor.u32 v7, v30;
	_ =	sdelay $0x2  }
0xd4: {  	v31 =	vadd.s32 $0x12, v3  }
0xd5: {  	v32 =	vand.u32 $0xFFFFFF80, v31;
	[tilespmem:s26+$0x0] =	vst v5  }
0xd6: {  	v7 =	vand.u32 $0x7F, v31;
	v5 =	vadd.s32 v4, v32;
	v6 =	vld.idx.msk [tilespmem:v6+s25+$0x0], $0xffff  }
0xd7: {  	v5 =	vor.u32 v7, v5;
	_ =	sdelay $0x2  }
0xd8: {  	v33 =	vadd.s32 $0x13, v3  }
0xd9: {  	v34 =	vand.u32 $0xFFFFFF80, v33;
	[tilespmem:s26+$0x80] =	vst v6  }
0xda: {  	v35 =	vadd.s32 v4, v34;
	v7 =	vand.u32 $0x7F, v33;
	v5 =	vld.idx.msk [tilespmem:v5+s25+$0x0], $0xffff  }
0xdb: {  	v6 =	vor.u32 v7, v35;
	_ =	sdelay $0x2  }
0xdc: {  	v36 =	vadd.s32 $0x14, v3  }
0xdd: {  	v37 =	vand.u32 $0xFFFFFF80, v36;
	[tilespmem:s26+$0x100] =	vst v5  }
0xde: {  	v7 =	vand.u32 $0x7F, v36;
	v5 =	vadd.s32 v4, v37;
	v6 =	vld.idx.msk [tilespmem:v6+s25+$0x0], $0xffff  }
0xdf: {  	v5 =	vor.u32 v7, v5;
	_ =	sdelay $0x2  }
0xe0: {  	v38 =	vadd.s32 $0x15, v3  }
0xe1: {  	v39 =	vand.u32 $0xFFFFFF80, v38;
	[tilespmem:s26+$0x180] =	vst v6  }
0xe2: {  	v40 =	vadd.s32 v4, v39;
	v7 =	vand.u32 $0x7F, v38;
	v5 =	vld.idx.msk [tilespmem:v5+s25+$0x0], $0xffff  }
0xe3: {  	v6 =	vor.u32 v7, v40;
	_ =	sdelay $0x2  }
0xe4: {  	v41 =	vadd.s32 $0x16, v3  }
0xe5: {  	v42 =	vand.u32 $0xFFFFFF80, v41;
	[tilespmem:s26+$0x200] =	vst v5  }
0xe6: {  	v7 =	vand.u32 $0x7F, v41;
	v5 =	vadd.s32 v4, v42;
	v6 =	vld.idx.msk [tilespmem:v6+s25+$0x0], $0xffff  }
0xe7: {  	v5 =	vor.u32 v7, v5;
	_ =	sdelay $0x2  }
0xe8: {  	v43 =	vadd.s32 $0x17, v3  }
0xe9: {  	v44 =	vand.u32 $0xFFFFFF80, v43;
	[tilespmem:s26+$0x280] =	vst v6  }
0xea: {  	v45 =	vadd.s32 v4, v44;
	v7 =	vand.u32 $0x7F, v43;
	v5 =	vld.idx.msk [tilespmem:v5+s25+$0x0], $0xffff  }
0xeb: {  	v6 =	vor.u32 v7, v45;
	_ =	sdelay $0x2  }
0xec: {  	v46 =	vadd.s32 $0x18, v3  }
0xed: {  	v47 =	vand.u32 $0xFFFFFF80, v46;
	[tilespmem:s26+$0x300] =	vst v5  }
0xee: {  	v7 =	vand.u32 $0x7F, v46;
	v5 =	vadd.s32 v4, v47;
	v6 =	vld.idx.msk [tilespmem:v6+s25+$0x0], $0xffff  }
0xef: {  	v5 =	vor.u32 v7, v5;
	_ =	sdelay $0x2  }
0xf0: {  	v48 =	vadd.s32 $0x19, v3  }
0xf1: {  	v49 =	vand.u32 $0xFFFFFF80, v48;
	[tilespmem:s26+$0x380] =	vst v6  }
0xf2: {  	v50 =	vadd.s32 v4, v49;
	v7 =	vand.u32 $0x7F, v48;
	v5 =	vld.idx.msk [tilespmem:v5+s25+$0x0], $0xffff  }
0xf3: {  	v6 =	vor.u32 v7, v50;
	_ =	sdelay $0x2  }
0xf4: {  	v51 =	vadd.s32 $0x1A, v3  }
0xf5: {  	v52 =	vand.u32 $0xFFFFFF80, v51;
	[tilespmem:s26+$0x400] =	vst v5  }
0xf6: {  	v7 =	vand.u32 $0x7F, v51;
	v5 =	vadd.s32 v4, v52;
	v6 =	vld.idx.msk [tilespmem:v6+s25+$0x0], $0xffff  }
0xf7: {  	v5 =	vor.u32 v7, v5;
	_ =	sdelay $0x2  }
0xf8: {  	v53 =	vadd.s32 $0x1B, v3  }
0xf9: {  	v54 =	vand.u32 $0xFFFFFF80, v53;
	[tilespmem:s26+$0x480] =	vst v6  }
0xfa: {  	v55 =	vadd.s32 v4, v54;
	v7 =	vand.u32 $0x7F, v53;
	v5 =	vld.idx.msk [tilespmem:v5+s25+$0x0], $0xffff  }
0xfb: {  	v6 =	vor.u32 v7, v55;
	_ =	sdelay $0x2  }
0xfc: {  	v56 =	vadd.s32 $0x1C, v3  }
0xfd: {  	v57 =	vand.u32 $0xFFFFFF80, v56;
	[tilespmem:s26+$0x500] =	vst v5  }
0xfe: {  	v7 =	vand.u32 $0x7F, v56;
	v5 =	vadd.s32 v4, v57;
	v6 =	vld.idx.msk [tilespmem:v6+s25+$0x0], $0xffff  }
0xff: {  	v5 =	vor.u32 v7, v5;
	_ =	sdelay $0x2  }
0x100: {  	v58 =	vadd.s32 $0x1D, v3  }
0x101: {  	v59 =	vand.u32 $0xFFFFFF80, v58;
	[tilespmem:s26+$0x580] =	vst v6  }
0x102: {  	v60 =	vadd.s32 v4, v59;
	v7 =	vand.u32 $0x7F, v58;
	v5 =	vld.idx.msk [tilespmem:v5+s25+$0x0], $0xffff  }
0x103: {  	v6 =	vor.u32 v7, v60;
	_ =	sdelay $0x2  }
0x104: {  	v61 =	vadd.s32 $0x1E, v3  }
0x105: {  	v62 =	vand.u32 $0xFFFFFF80, v61;
	[tilespmem:s26+$0x600] =	vst v5  }
0x106: {  	v7 =	vand.u32 $0x7F, v61;
	v5 =	vadd.s32 v4, v62;
	v6 =	vld.idx.msk [tilespmem:v6+s25+$0x0], $0xffff  }
0x107: {  	v5 =	vor.u32 v7, v5;
	_ =	sdelay $0x2  }
0x108: {  	v3 =	vadd.s32 $0x1F, v3  }
0x109: {  	v63 =	vand.u32 $0xFFFFFF80, v3;
	[tilespmem:s26+$0x680] =	vst v6  }
0x10a: {  	v3 =	vand.u32 $0x7F, v3;
	v4 =	vadd.s32 v4, v63;
	v5 =	vld.idx.msk [tilespmem:v5+s25+$0x0], $0xffff  }
0x10b: {  	v3 =	vor.u32 v3, v4;
	_ =	sdelay $0x2  }
0x10c: {  	s28 =	sshll.u32 s24, $0xC  }
0x10d: {  	s28 =	sand.u32 $0x1000, s28;
	[tilespmem:s26+$0x700] =	vst v5  }
0x10e: {  	s29 =	simm.s32 $0x10;
	s30 =	smov.u32 s23;
	s28 =	sor.u32 $0x1A000, s28;
	v3 =	vld.idx.msk [tilespmem:v3+s25+$0x0], $0xffff  }
.LBB2_5:
0x10f: {  	_ =	sdelay $0x3  }
0x110: {  	p1 =	sne.s32 s29, $0x70;
	s30 =	sadd.s32 $0x10, s30;
	[tilespmem:s26+$0x780] =	vst v3;
	s26 =	sadd.s32 $0x10, s26  }
0x111: {  	s31 =	smov.u32 s29;
	s29 =	sadd.s32 $0x10, s29;
	v3 =	vld [tilespmem:s30+$0x0];
	_ =	sdelay $0x2  }
0x112: {  	v4 =	vmov s31  }
0x113: {  	v4 =	vshll.u32 v4, $0x7  }
0x114: {  	v4 =	vor.u32 v2, v4;
	v5 =	vand.u32 $0xFFFFFF80, v3;
	v6 =	vadd.s32 $0x1, v3  }
0x115: {  	v7 =	vand.u32 $0x7F, v3;
	v5 =	vadd.s32 v4, v5;
	v8 =	vand.u32 $0xFFFFFF80, v6  }
0x116: {  	v5 =	vor.u32 v7, v5;
	v7 =	vadd.s32 v4, v8;
	v8 =	vadd.s32 $0x2, v3  }
0x117: {  	v10 =	vadd.s32 $0x3, v3;
	v12 =	vadd.s32 $0x4, v3;
	v9 =	vand.u32 $0xFFFFFF80, v8  }
0x118: {  	v11 =	vand.u32 $0xFFFFFF80, v10;
	v13 =	vand.u32 $0xFFFFFF80, v12;
	v9 =	vadd.s32 v4, v9  }
0x119: {  	v55 =	vadd.s32 $0x5, v3;
	v11 =	vadd.s32 v4, v11;
	v13 =	vadd.s32 v4, v13  }
0x11a: {  	v53 =	vadd.s32 $0x6, v3;
	v49 =	vadd.s32 $0x7, v3;
	v14 =	vand.u32 $0xFFFFFF80, v55  }
0x11b: {  	v15 =	vand.u32 $0xFFFFFF80, v49;
	v56 =	vadd.s32 v4, v14;
	v14 =	vand.u32 $0xFFFFFF80, v53;
	v5 =	vld.idx.msk [tilespmem:v5+s25+$0x0], $0xffff  }
0x11c: {  	v6 =	vand.u32 $0x7F, v6;
	v52 =	vadd.s32 v4, v15;
	v54 =	vadd.s32 v4, v14  }
0x11d: {  	v50 =	vadd.s32 $0x8, v3;
	v47 =	vadd.s32 $0x9, v3;
	v6 =	vor.u32 v6, v7  }
0x11e: {  	v44 =	vadd.s32 $0xA, v3;
	v7 =	vand.u32 $0xFFFFFF80, v50;
	v14 =	vand.u32 $0xFFFFFF80, v47  }
0x11f: {  	v51 =	vadd.s32 v4, v7;
	v48 =	vadd.s32 v4, v14;
	v7 =	vand.u32 $0xFFFFFF80, v44  }
0x120: {  	v43 =	vadd.s32 $0xB, v3;
	v40 =	vadd.s32 $0xC, v3;
	v46 =	vadd.s32 v4, v7  }
0x121: {  	v38 =	vadd.s32 $0xD, v3;
	v7 =	vand.u32 $0xFFFFFF80, v40;
	[tilespmem:s26+$0xFFFFF800] =	vst v5;
	v5 =	vand.u32 $0xFFFFFF80, v43  }
0x122: {  	v42 =	vadd.s32 v4, v7;
	v6 =	vld.idx.msk [tilespmem:v6+s25+$0x0], $0xffff;
	v45 =	vadd.s32 v4, v5;
	v5 =	vand.u32 $0xFFFFFF80, v38  }
0x123: {  	v37 =	vadd.s32 $0xE, v3;
	v7 =	vand.u32 $0x7F, v8;
	v41 =	vadd.s32 v4, v5  }
0x124: {  	v35 =	vadd.s32 $0xF, v3;
	v5 =	vor.u32 v7, v9;
	v7 =	vand.u32 $0xFFFFFF80, v37  }
0x125: {  	v33 =	vadd.s32 $0x10, v3;
	v39 =	vadd.s32 v4, v7;
	v7 =	vand.u32 $0xFFFFFF80, v35  }
0x126: {  	v31 =	vadd.s32 $0x11, v3;
	v36 =	vadd.s32 v4, v7;
	v7 =	vand.u32 $0xFFFFFF80, v33  }
0x127: {  	v28 =	vadd.s32 $0x12, v3;
	v34 =	vadd.s32 v4, v7;
	v7 =	vand.u32 $0xFFFFFF80, v31  }
0x128: {  	v27 =	vadd.s32 $0x13, v3;
	v32 =	vadd.s32 v4, v7;
	[tilespmem:s26+$0xFFFFF880] =	vst v6;
	v6 =	vand.u32 $0xFFFFFF80, v28  }
0x129: {  	v24 =	vadd.s32 $0x14, v3;
	v5 =	vld.idx.msk [tilespmem:v5+s25+$0x0], $0xffff;
	v30 =	vadd.s32 v4, v6;
	v6 =	vand.u32 $0xFFFFFF80, v27  }
0x12a: {  	v7 =	vand.u32 $0x7F, v10;
	v29 =	vadd.s32 v4, v6;
	v6 =	vand.u32 $0xFFFFFF80, v24  }
0x12b: {  	v23 =	vadd.s32 $0x15, v3;
	v7 =	vor.u32 v7, v11;
	v26 =	vadd.s32 v4, v6  }
0x12c: {  	v21 =	vadd.s32 $0x16, v3;
	v18 =	vadd.s32 $0x17, v3;
	v6 =	vand.u32 $0xFFFFFF80, v23  }
0x12d: {  	v8 =	vand.u32 $0xFFFFFF80, v18;
	v25 =	vadd.s32 v4, v6;
	v6 =	vand.u32 $0xFFFFFF80, v21  }
0x12e: {  	v16 =	vadd.s32 $0x18, v3;
	v20 =	vadd.s32 v4, v8;
	v22 =	vadd.s32 v4, v6  }
0x12f: {  	v15 =	vadd.s32 $0x19, v3;
	v11 =	vadd.s32 $0x1A, v3;
	[tilespmem:s26+$0xFFFFF900] =	vst v5;
	v5 =	vand.u32 $0xFFFFFF80, v16  }
0x130: {  	v6 =	vand.u32 $0xFFFFFF80, v11;
	v7 =	vld.idx.msk [tilespmem:v7+s25+$0x0], $0xffff;
	v19 =	vadd.s32 v4, v5;
	v5 =	vand.u32 $0xFFFFFF80, v15  }
0x131: {  	v8 =	vand.u32 $0x7F, v12;
	v14 =	vadd.s32 v4, v6;
	v17 =	vadd.s32 v4, v5  }
0x132: {  	v12 =	vadd.s32 $0x1B, v3;
	v57 =	vor.u32 v8, v13;
	v9 =	vadd.s32 $0x1C, v3  }
0x133: {  	v8 =	vand.u32 $0xFFFFFF80, v9;
	v6 =	vadd.s32 $0x1D, v3;
	v5 =	vand.u32 $0xFFFFFF80, v12  }
0x134: {  	v10 =	vadd.s32 v4, v8;
	v13 =	vadd.s32 v4, v5;
	v5 =	vand.u32 $0xFFFFFF80, v6  }
0x135: {  	v8 =	vadd.s32 v4, v5;
	v5 =	vadd.s32 $0x1E, v3;
	v3 =	vadd.s32 $0x1F, v3  }
0x136: {  	v58 =	vand.u32 $0xFFFFFF80, v3;
	[tilespmem:s26+$0xFFFFF980] =	vst v7;
	v7 =	vand.u32 $0xFFFFFF80, v5  }
0x137: {  	v57 =	vld.idx.msk [tilespmem:v57+s25+$0x0], $0xffff;
	v7 =	vadd.s32 v4, v7;
	v4 =	vadd.s32 v4, v58  }
0x138: {  	v55 =	vand.u32 $0x7F, v55  }
0x139: {  	v55 =	vor.u32 v55, v56;
	_ =	sdelay $0x3  }
0x13a: {  	[tilespmem:s26+$0xFFFFFA00] =	vst v57  }
0x13b: {  	v55 =	vld.idx.msk [tilespmem:v55+s25+$0x0], $0xffff  }
0x13c: {  	v53 =	vand.u32 $0x7F, v53  }
0x13d: {  	v53 =	vor.u32 v53, v54;
	_ =	sdelay $0x3  }
0x13e: {  	[tilespmem:s26+$0xFFFFFA80] =	vst v55  }
0x13f: {  	v53 =	vld.idx.msk [tilespmem:v53+s25+$0x0], $0xffff  }
0x140: {  	v49 =	vand.u32 $0x7F, v49  }
0x141: {  	v49 =	vor.u32 v49, v52;
	_ =	sdelay $0x3  }
0x142: {  	[tilespmem:s26+$0xFFFFFB00] =	vst v53  }
0x143: {  	v49 =	vld.idx.msk [tilespmem:v49+s25+$0x0], $0xffff  }
0x144: {  	v50 =	vand.u32 $0x7F, v50  }
0x145: {  	v50 =	vor.u32 v50, v51;
	_ =	sdelay $0x3  }
0x146: {  	[tilespmem:s26+$0xFFFFFB80] =	vst v49  }
0x147: {  	v49 =	vld.idx.msk [tilespmem:v50+s25+$0x0], $0xffff  }
0x148: {  	v47 =	vand.u32 $0x7F, v47  }
0x149: {  	v47 =	vor.u32 v47, v48;
	_ =	sdelay $0x3  }
0x14a: {  	[tilespmem:s26+$0xFFFFFC00] =	vst v49  }
0x14b: {  	v47 =	vld.idx.msk [tilespmem:v47+s25+$0x0], $0xffff  }
0x14c: {  	v44 =	vand.u32 $0x7F, v44  }
0x14d: {  	v44 =	vor.u32 v44, v46;
	_ =	sdelay $0x3  }
0x14e: {  	[tilespmem:s26+$0xFFFFFC80] =	vst v47  }
0x14f: {  	v44 =	vld.idx.msk [tilespmem:v44+s25+$0x0], $0xffff  }
0x150: {  	v43 =	vand.u32 $0x7F, v43  }
0x151: {  	v43 =	vor.u32 v43, v45;
	_ =	sdelay $0x3  }
0x152: {  	[tilespmem:s26+$0xFFFFFD00] =	vst v44  }
0x153: {  	v43 =	vld.idx.msk [tilespmem:v43+s25+$0x0], $0xffff  }
0x154: {  	v40 =	vand.u32 $0x7F, v40  }
0x155: {  	v40 =	vor.u32 v40, v42;
	_ =	sdelay $0x3  }
0x156: {  	[tilespmem:s26+$0xFFFFFD80] =	vst v43  }
0x157: {  	v40 =	vld.idx.msk [tilespmem:v40+s25+$0x0], $0xffff  }
0x158: {  	v38 =	vand.u32 $0x7F, v38  }
0x159: {  	v38 =	vor.u32 v38, v41;
	_ =	sdelay $0x3  }
0x15a: {  	[tilespmem:s26+$0xFFFFFE00] =	vst v40  }
0x15b: {  	v38 =	vld.idx.msk [tilespmem:v38+s25+$0x0], $0xffff  }
0x15c: {  	v37 =	vand.u32 $0x7F, v37  }
0x15d: {  	v37 =	vor.u32 v37, v39;
	_ =	sdelay $0x3  }
0x15e: {  	[tilespmem:s26+$0xFFFFFE80] =	vst v38  }
0x15f: {  	v37 =	vld.idx.msk [tilespmem:v37+s25+$0x0], $0xffff  }
0x160: {  	v35 =	vand.u32 $0x7F, v35  }
0x161: {  	v35 =	vor.u32 v35, v36;
	_ =	sdelay $0x3  }
0x162: {  	[tilespmem:s26+$0xFFFFFF00] =	vst v37  }
0x163: {  	v35 =	vld.idx.msk [tilespmem:v35+s25+$0x0], $0xffff  }
0x164: {  	v33 =	vand.u32 $0x7F, v33  }
0x165: {  	v33 =	vor.u32 v33, v34;
	_ =	sdelay $0x3  }
0x166: {  	[tilespmem:s26+$0xFFFFFF80] =	vst v35  }
0x167: {  	v33 =	vld.idx.msk [tilespmem:v33+s25+$0x0], $0xffff  }
0x168: {  	v31 =	vand.u32 $0x7F, v31  }
0x169: {  	v31 =	vor.u32 v31, v32;
	_ =	sdelay $0x3  }
0x16a: {  	[tilespmem:s26+$0x0] =	vst v33  }
0x16b: {  	v31 =	vld.idx.msk [tilespmem:v31+s25+$0x0], $0xffff  }
0x16c: {  	v28 =	vand.u32 $0x7F, v28  }
0x16d: {  	v28 =	vor.u32 v28, v30;
	_ =	sdelay $0x3  }
0x16e: {  	[tilespmem:s26+$0x80] =	vst v31  }
0x16f: {  	v28 =	vld.idx.msk [tilespmem:v28+s25+$0x0], $0xffff  }
0x170: {  	v27 =	vand.u32 $0x7F, v27  }
0x171: {  	v27 =	vor.u32 v27, v29;
	_ =	sdelay $0x3  }
0x172: {  	[tilespmem:s26+$0x100] =	vst v28  }
0x173: {  	v27 =	vld.idx.msk [tilespmem:v27+s25+$0x0], $0xffff  }
0x174: {  	v24 =	vand.u32 $0x7F, v24  }
0x175: {  	v24 =	vor.u32 v24, v26;
	_ =	sdelay $0x3  }
0x176: {  	[tilespmem:s26+$0x180] =	vst v27  }
0x177: {  	v24 =	vld.idx.msk [tilespmem:v24+s25+$0x0], $0xffff  }
0x178: {  	v23 =	vand.u32 $0x7F, v23  }
0x179: {  	v23 =	vor.u32 v23, v25;
	_ =	sdelay $0x3  }
0x17a: {  	[tilespmem:s26+$0x200] =	vst v24  }
0x17b: {  	v23 =	vld.idx.msk [tilespmem:v23+s25+$0x0], $0xffff  }
0x17c: {  	v21 =	vand.u32 $0x7F, v21  }
0x17d: {  	v21 =	vor.u32 v21, v22;
	_ =	sdelay $0x3  }
0x17e: {  	[tilespmem:s26+$0x280] =	vst v23  }
0x17f: {  	v21 =	vld.idx.msk [tilespmem:v21+s25+$0x0], $0xffff  }
0x180: {  	v18 =	vand.u32 $0x7F, v18  }
0x181: {  	v18 =	vor.u32 v18, v20;
	_ =	sdelay $0x3  }
0x182: {  	[tilespmem:s26+$0x300] =	vst v21  }
0x183: {  	v18 =	vld.idx.msk [tilespmem:v18+s25+$0x0], $0xffff  }
0x184: {  	v16 =	vand.u32 $0x7F, v16  }
0x185: {  	v16 =	vor.u32 v16, v19;
	_ =	sdelay $0x3  }
0x186: {  	[tilespmem:s26+$0x380] =	vst v18  }
0x187: {  	v16 =	vld.idx.msk [tilespmem:v16+s25+$0x0], $0xffff  }
0x188: {  	v15 =	vand.u32 $0x7F, v15  }
0x189: {  	v15 =	vor.u32 v15, v17;
	_ =	sdelay $0x3  }
0x18a: {  	[tilespmem:s26+$0x400] =	vst v16  }
0x18b: {  	v15 =	vld.idx.msk [tilespmem:v15+s25+$0x0], $0xffff  }
0x18c: {  	v11 =	vand.u32 $0x7F, v11  }
0x18d: {  	v11 =	vor.u32 v11, v14;
	_ =	sdelay $0x3  }
0x18e: {  	[tilespmem:s26+$0x480] =	vst v15  }
0x18f: {  	v11 =	vld.idx.msk [tilespmem:v11+s25+$0x0], $0xffff  }
0x190: {  	v12 =	vand.u32 $0x7F, v12  }
0x191: {  	v12 =	vor.u32 v12, v13;
	_ =	sdelay $0x3  }
0x192: {  	[tilespmem:s26+$0x500] =	vst v11  }
0x193: {  	v11 =	vld.idx.msk [tilespmem:v12+s25+$0x0], $0xffff  }
0x194: {  	v9 =	vand.u32 $0x7F, v9  }
0x195: {  	v9 =	vor.u32 v9, v10;
	_ =	sdelay $0x3  }
0x196: {  	[tilespmem:s26+$0x580] =	vst v11  }
0x197: {  	v9 =	vld.idx.msk [tilespmem:v9+s25+$0x0], $0xffff  }
0x198: {  	v6 =	vand.u32 $0x7F, v6  }
0x199: {  	v6 =	vor.u32 v6, v8;
	_ =	sdelay $0x3  }
0x19a: {  	[tilespmem:s26+$0x600] =	vst v9  }
0x19b: {  	v6 =	vld.idx.msk [tilespmem:v6+s25+$0x0], $0xffff  }
0x19c: {  	v5 =	vand.u32 $0x7F, v5  }
0x19d: {  	v5 =	vor.u32 v5, v7;
	_ =	sdelay $0x3  }
0x19e: {  	[tilespmem:s26+$0x680] =	vst v6  }
0x19f: {  	v5 =	vld.idx.msk [tilespmem:v5+s25+$0x0], $0xffff  }
0x1a0: {  	v3 =	vand.u32 $0x7F, v3  }
0x1a1: {  	v3 =	vor.u32 v3, v4  }
.Ltmp1:
0x1a2: {  	(pc) =	sbr.rel @p1 .LBB2_5-.Ltmp1, $3  }
0x1a3: {  	_ =	sdelay $0x1  }
0x1a4: {  	[tilespmem:s26+$0x700] =	vst v5  }
0x1a5: {  	v3 =	vld.idx.msk [tilespmem:v3+s25+$0x0], $0xffff  }
0x1a6: {  	s25 =	sshll.u32 s24, $0x7;
	s24 =	sadd.s32 $0x1, s24  }
0x1a7: {  	p1 =	sne.s32 s24, $0x20  }
.Ltmp2:
0x1a8: {  	_ = 	snop;
	(pc) =	sbr.rel @p1 .LBB2_4-.Ltmp2, $3  }
0x1a9: {  	_ =	sdelay $0x1  }
0x1aa: {  	s23 =	sadd.s32 $0x80, s23;
	p0 =	por !p0, !p0;
	s25 =	sadd.s32 s25, s6;
	[tilespmem:s26+$0x780] =	vst v3  }
0x1ab: {  	[hbm4b:s25+s18] =	stream.strided.scatter [tilespmem:s28], [sflag:$0x2], $0x1000, s19, s18, $0x38;
	[tilespmem:$0x1C080] =	vst v63  }
0x1ac: {  	s21 =	sadd.s32 $0x1, s21  }
0x1ad: {  	_ =	swait.ge [sflag:s20], $0x1000;
	p0 =	sne.s32 s21, s7  }
.Ltmp3:
0x1ae: {  	[sflag:s20] =	ssyncset.done $0x0;
	(pc) =	sbr.rel @p0 .LBB2_1-.Ltmp3, $4  }
0x1af: {  	[sflag:s20] =	ssyncadd.s32 $0xFFFFF000  }
0x1b0: {  	_ =	swait.ge [sflag:s20], $0x1000  }
0x1b1: {  	[sflag:s20] =	ssyncset.done $0x0  }
0x1b2: {  	[sflag:s20] =	ssyncadd.s32 $0xFFFFF000  }
0x1b3: {  	_ =	sfence.sel $0x180000  }
0x1b4: {  	[bflag:$0x0] =	sbarrier.arrive $0xFFFF  }
0x1b5: {  	p0 =	sne.s32 s1, $0x0;
	_ =	strace $0x90000047  }
0x1b6: {  	s0 =	sadd.s32 @!p0 $0x100000, s0;
	[bflag:$0x2] =	sbarrier.arrive $0xFFFF  }
0x1b7: {  	[sflag:s0] =	ssyncadd.tile.s32 @!p0 $0x1;
	_ =	shalt  }
.Lfunc_end2:
_tile_overlayer_lowered:
.L_overlay_start_2:
0x1b8: {  	(tag) =	ssettag $0x2  }
0x1b9: {  	s0 =	rddreg [dreg:$0x0];
	s2 =	stileid.u32  }
0x1ba: {  	s1 =	rddreg [dreg:$0x1];
	p0 =	sne.s32 s2, $0x0  }
0x1bb: {  	s3 =	rddreg [dreg:$0x2];
	[bflag:$0x3] =	sbarrier.arrive $0xFFFF;
	s2 =	simm.s32 @!p0 $0x1C03  }
0x1bc: {  	[timem:s3], [sflag:s2] =	dma.local @!p0 [hbm:s0], s1  }
0x1bd: {  	s0 =	simm.s32 @!p0 $0x3  }
0x1be: {  	_ =	swait.ge @!p0 [sflag:s0], s1  }
0x1bf: {  	s1 =	ssub.s32 @!p0 $0x0, s1;
	[sflag:s0] =	ssyncset.done @!p0 $0x0  }
0x1c0: {  	[sflag:s0] =	ssyncadd.s32 @!p0 s1  }
0x1c1: {  	[bflag:$0x3] =	sbarrier.arrive $0xFFFF  }
0x1c2: {  	_ =	shalt  }

</sc_bundles>
